<compile_context>
chip_gen: v7x
topology: tpu7x:2x2x1
jax: 0.10.2.dev20260603
libtpu: 0.0.44.dev20260713+nightly
codegen_flags: <defaults>
</compile_context>

<pallas_src>
import functools

import jax
import jax.numpy as jnp
from jax import lax
from jax.experimental import pallas as pl

_NC = 21
_POOL = 7
_FC = 1024
_NEG = -1e9


def _mm1_kernel(nk, x_ref, w_ref, b_ref, o_ref):
    k = pl.program_id(1)

    @pl.when(k == 0)
    def _():
        o_ref[...] = jnp.zeros_like(o_ref)

    o_ref[...] += jnp.dot(x_ref[...], w_ref[...], preferred_element_type=jnp.float32)

    @pl.when(k == nk - 1)
    def _():
        o_ref[...] = jnp.maximum(o_ref[...] + b_ref[...], 0.0)


def _head_kernel(h6_ref, w7_ref, b7_ref, wcb_ref, bcb_ref, o_ref):
    h7 = jnp.maximum(
        jnp.dot(h6_ref[...], w7_ref[...], preferred_element_type=jnp.float32)
        + b7_ref[...],
        0.0,
    )
    o_ref[...] = (
        jnp.dot(h7, wcb_ref[...], preferred_element_type=jnp.float32) + bcb_ref[...]
    )


def _nms_kernel(x1_ref, y1_ref, x2_ref, y2_ref, s_ref, kp_ref):
    x1 = x1_ref[...]
    y1 = y1_ref[...]
    x2 = x2_ref[...]
    y2 = y2_ref[...]
    area = jnp.maximum(x2 - x1, 0.0) * jnp.maximum(y2 - y1, 0.0)
    lanes = lax.broadcasted_iota(jnp.int32, x1.shape, 1)

    def body(i, carry):
        kp, s = carry
        m = jnp.max(s, axis=1, keepdims=True)
        hit = s == m
        idx = jnp.min(jnp.where(hit, lanes, x1.shape[1]), axis=1, keepdims=True)
        first = lanes == idx
        ok = m > (_NEG * 0.5)
        kp = jnp.where(first & ok, 1.0, kp)
        bx1 = jnp.sum(jnp.where(first, x1, 0.0), axis=1, keepdims=True)
        by1 = jnp.sum(jnp.where(first, y1, 0.0), axis=1, keepdims=True)
        bx2 = jnp.sum(jnp.where(first, x2, 0.0), axis=1, keepdims=True)
        by2 = jnp.sum(jnp.where(first, y2, 0.0), axis=1, keepdims=True)
        barea = jnp.maximum(bx2 - bx1, 0.0) * jnp.maximum(by2 - by1, 0.0)
        xx1 = jnp.maximum(bx1, x1)
        yy1 = jnp.maximum(by1, y1)
        xx2 = jnp.minimum(bx2, x2)
        yy2 = jnp.minimum(by2, y2)
        inter = jnp.maximum(xx2 - xx1, 0.0) * jnp.maximum(yy2 - yy1, 0.0)
        iou = inter / (barea + area - inter + 1e-9)
        s = jnp.where(((iou > 0.5) & ok) | first, _NEG, s)
        return kp, s

    kp, _ = lax.fori_loop(0, 100, body, (jnp.zeros_like(x1), s_ref[...]))
    kp_ref[...] = kp


def kernel(feat, proposals, img_shape, target, W6, b6, W7, b7, Wc, bc, Wb, bb):
    n = proposals.shape[0]
    C = feat.shape[1]
    FH = feat.shape[2]
    FW = feat.shape[3]

    f0 = jnp.transpose(feat[0], (1, 2, 0))
    b = proposals * (1.0 / 16.0)
    x1 = jnp.round(b[:, 0])
    y1 = jnp.round(b[:, 1])
    x2 = jnp.round(b[:, 2])
    y2 = jnp.round(b[:, 3])
    roi_w = jnp.maximum(x2 - x1 + 1.0, 1.0)
    roi_h = jnp.maximum(y2 - y1 + 1.0, 1.0)
    bwid = roi_w / _POOL
    bhgt = roi_h / _POOL
    offs = jnp.array([0.25, 0.75], dtype=jnp.float32)
    grid = jnp.arange(_POOL, dtype=jnp.float32)[:, None] + offs[None, :]
    px = x1[:, None, None] + bwid[:, None, None] * grid[None]
    py = y1[:, None, None] + bhgt[:, None, None] * grid[None]
    xi = jnp.clip(jnp.floor(px), 0, FW - 1).astype(jnp.int32)
    yi = jnp.clip(jnp.floor(py), 0, FH - 1).astype(jnp.int32)
    g = f0[yi[:, :, :, None, None], xi[:, None, None, :, :]]
    pooled = jnp.max(g, axis=(2, 4))
    x = pooled.reshape(n, _POOL * _POOL * C)

    npad = 1024
    x = jnp.pad(x, ((0, npad - n), (0, 0)))
    W6p = W6.reshape(C, _POOL, _POOL, _FC).transpose(1, 2, 0, 3).reshape(-1, _FC)

    KB = 1792
    nkb = (_POOL * _POOL * C) // KB
    h6 = pl.pallas_call(
        functools.partial(_mm1_kernel, nkb),
        grid=(npad // 128, nkb),
        in_specs=[
            pl.BlockSpec((128, KB), lambda i, k: (i, k)),
            pl.BlockSpec((KB, _FC), lambda i, k: (k, 0)),
            pl.BlockSpec((1, _FC), lambda i, k: (0, 0)),
        ],
        out_specs=pl.BlockSpec((128, _FC), lambda i, k: (i, 0)),
        out_shape=jax.ShapeDtypeStruct((npad, _FC), jnp.float32),
    )(x, W6p, b6[None, :])

    Wcb = jnp.zeros((_FC, 128), jnp.float32)
    Wcb = Wcb.at[:, :_NC].set(Wc).at[:, _NC : _NC + 4 * _NC].set(Wb)
    bcb = jnp.zeros((128,), jnp.float32)
    bcb = bcb.at[:_NC].set(bc).at[_NC : _NC + 4 * _NC].set(bb)
    out = pl.pallas_call(
        _head_kernel,
        out_shape=jax.ShapeDtypeStruct((npad, 128), jnp.float32),
    )(h6, W7, b7[None, :], Wcb, bcb[None, :])
    cls = out[:n, :_NC]
    btf = out[:n, _NC : _NC + 4 * _NC].reshape(n, _NC, 4)

    pw = proposals[:, 2] - proposals[:, 0]
    ph = proposals[:, 3] - proposals[:, 1]
    pcx = proposals[:, 0] + 0.5 * pw
    pcy = proposals[:, 1] + 0.5 * ph
    dx = btf[..., 0]
    dy = btf[..., 1]
    dw = jnp.minimum(btf[..., 2], jnp.log(1000.0 / 16.0))
    dh = jnp.minimum(btf[..., 3], jnp.log(1000.0 / 16.0))
    cx = dx * pw[:, None] + pcx[:, None]
    cy = dy * ph[:, None] + pcy[:, None]
    w = jnp.exp(dw) * pw[:, None]
    h = jnp.exp(dh) * ph[:, None]
    boxes = jnp.stack(
        [cx - 0.5 * w, cy - 0.5 * h, cx + 0.5 * w, cy + 0.5 * h], axis=-1
    )
    boxes = jnp.clip(boxes, 0.0, jnp.asarray(img_shape, jnp.float32))
    scores = jax.nn.softmax(cls, axis=1)

    boxes_f = boxes[:, 1:].reshape(-1, 4)
    scores_f = scores[:, 1:].reshape(-1)
    ws = boxes_f[:, 2] - boxes_f[:, 0]
    hs = boxes_f[:, 3] - boxes_f[:, 1]
    valid = (scores_f > 0.05) & (ws >= 1.0) & (hs >= 1.0)

    bcm = boxes[:, 1:, :].transpose(1, 0, 2)
    scm = jnp.where(valid.reshape(n, _NC - 1).T, scores[:, 1:].T, _NEG)

    def p2(a):
        return jnp.pad(a, ((0, 32 - (_NC - 1)), (0, 1024 - n)))

    sc = jnp.pad(scm, ((0, 32 - (_NC - 1)), (0, 1024 - n)), constant_values=_NEG)
    kp = pl.pallas_call(
        _nms_kernel,
        out_shape=jax.ShapeDtypeStruct((32, 1024), jnp.float32),
    )(p2(bcm[..., 0]), p2(bcm[..., 1]), p2(bcm[..., 2]), p2(bcm[..., 3]), sc)

    keep_f = (kp[: _NC - 1, :n] > 0.5).T.reshape(-1)
    final_scores = jnp.where(keep_f & valid, scores_f, _NEG)
    top_s, top_i = lax.top_k(final_scores, 100)
    labels_f = jnp.broadcast_to(jnp.arange(_NC)[None, :], (n, _NC))[:, 1:].reshape(-1)
    return boxes_f[top_i], top_s, labels_f[top_i]

# --- scband reference (transcript-rebuilt; emitter-appended) ---
"""Pipeline reference for scband-roihead-31997506355978 (READ-ONLY COPY).

The authoritative reference and input builder live on the scoring server;
editing this copy changes nothing except your own understanding.
"""

import jax, jax.numpy as jnp
import numpy as np

NUM_CLASSES = 21
IN_CHANNELS = 256
POOL = 7
FC_DIM = 1024
N_PROP = 1000
FH = 50
FW = 50
IMG = 800


def setup_inputs(seed: int = 0):
    key = jax.random.key(seed)
    ks = jax.random.split(key, 12)
    feat = jax.random.normal(ks[0], (1, IN_CHANNELS, FH, FW), dtype=jnp.float32)
    x1 = jax.random.uniform(ks[1], (N_PROP,), minval=0.0, maxval=700.0)
    y1 = jax.random.uniform(ks[2], (N_PROP,), minval=0.0, maxval=700.0)
    bw = jax.random.uniform(ks[3], (N_PROP,), minval=16.0, maxval=120.0)
    bh = jax.random.uniform(ks[4], (N_PROP,), minval=16.0, maxval=120.0)
    proposals = jnp.stack([x1, y1, jnp.minimum(x1 + bw, float(IMG - 1)), jnp.minimum(y1 + bh, float(IMG - 1))], axis=1).astype(jnp.float32)
    W6 = jax.random.normal(ks[5], (IN_CHANNELS * POOL * POOL, FC_DIM), dtype=jnp.float32) * 0.01
    b6 = jnp.zeros((FC_DIM,), jnp.float32)
    W7 = jax.random.normal(ks[6], (FC_DIM, FC_DIM), dtype=jnp.float32) * 0.03
    b7 = jnp.zeros((FC_DIM,), jnp.float32)
    Wc = jax.random.normal(ks[7], (FC_DIM, NUM_CLASSES), dtype=jnp.float32) * 0.05
    bc = jnp.zeros((NUM_CLASSES,), jnp.float32)
    Wb = jax.random.normal(ks[8], (FC_DIM, NUM_CLASSES * 4), dtype=jnp.float32) * 0.01
    bb = jnp.zeros((NUM_CLASSES * 4,), jnp.float32)
    target = jnp.zeros((1,), jnp.float32)
    return {"feat": feat, "proposals": proposals, "img_shape": IMG, "target": target, "W6": W6, "b6": b6, "W7": W7, "b7": b7, "Wc": Wc, "bc": bc, "Wb": Wb, "bb": bb}


def _roi_pool(feat, proposals):
    f0 = feat[0]
    scale = 1.0 / 16.0
    b = proposals * scale
    x1 = jnp.round(b[:, 0]); y1 = jnp.round(b[:, 1]); x2 = jnp.round(b[:, 2]); y2 = jnp.round(b[:, 3])
    roi_w = jnp.maximum(x2 - x1 + 1.0, 1.0)
    roi_h = jnp.maximum(y2 - y1 + 1.0, 1.0)
    bw = roi_w / POOL
    bh = roi_h / POOL
    offs = jnp.array([0.25, 0.75], dtype=jnp.float32)
    grid = jnp.arange(POOL, dtype=jnp.float32)[:, None] + offs[None, :]
    px = x1[:, None, None] + bw[:, None, None] * grid[None]
    py = y1[:, None, None] + bh[:, None, None] * grid[None]
    xi = jnp.clip(jnp.floor(px), 0, FW - 1).astype(jnp.int32)
    yi = jnp.clip(jnp.floor(py), 0, FH - 1).astype(jnp.int32)
    g = f0[:, yi[:, :, :, None, None], xi[:, None, None, :, :]]
    pooled = jnp.max(g, axis=(3, 5))
    pooled = jnp.transpose(pooled, (1, 0, 2, 3))
    return pooled.reshape(pooled.shape[0], -1)


def _iou_one_vs_all(box, boxes):
    area1 = jnp.maximum(box[2] - box[0], 0.0) * jnp.maximum(box[3] - box[1], 0.0)
    areas = jnp.maximum(boxes[:, 2] - boxes[:, 0], 0.0) * jnp.maximum(boxes[:, 3] - boxes[:, 1], 0.0)
    xx1 = jnp.maximum(box[0], boxes[:, 0])
    yy1 = jnp.maximum(box[1], boxes[:, 1])
    xx2 = jnp.minimum(box[2], boxes[:, 2])
    yy2 = jnp.minimum(box[3], boxes[:, 3])
    inter = jnp.maximum(xx2 - xx1, 0.0) * jnp.maximum(yy2 - yy1, 0.0)
    return inter / (area1 + areas - inter + 1e-9)


def _forward(feat, proposals, W6, b6, W7, b7, Wc, bc, Wb, bb, img_shape):
    n = proposals.shape[0]
    x = _roi_pool(feat, proposals)
    h6 = jax.nn.relu(x @ W6 + b6)
    h7 = jax.nn.relu(h6 @ W7 + b7)
    cls_scores = h7 @ Wc + bc
    btf = (h7 @ Wb + bb).reshape(n, NUM_CLASSES, 4)
    pw = proposals[:, 2] - proposals[:, 0]
    ph = proposals[:, 3] - proposals[:, 1]
    pcx = proposals[:, 0] + 0.5 * pw
    pcy = proposals[:, 1] + 0.5 * ph
    dx = btf[..., 0]
    dy = btf[..., 1]
    dw = jnp.minimum(btf[..., 2], jnp.log(1000.0 / 16.0))
    dh = jnp.minimum(btf[..., 3], jnp.log(1000.0 / 16.0))
    cx = dx * pw[:, None] + pcx[:, None]
    cy = dy * ph[:, None] + pcy[:, None]
    w = jnp.exp(dw) * pw[:, None]
    h = jnp.exp(dh) * ph[:, None]
    boxes = jnp.stack([cx - 0.5 * w, cy - 0.5 * h, cx + 0.5 * w, cy + 0.5 * h], axis=-1)
    boxes = jnp.clip(boxes, 0.0, jnp.asarray(img_shape, jnp.float32))
    scores = jax.nn.softmax(cls_scores, axis=1)
    labels = jnp.broadcast_to(jnp.arange(NUM_CLASSES)[None, :], (n, NUM_CLASSES))
    boxes_f = boxes[:, 1:].reshape(-1, 4)
    scores_f = scores[:, 1:].reshape(-1)
    labels_f = labels[:, 1:].reshape(-1)
    ws = boxes_f[:, 2] - boxes_f[:, 0]
    hs = boxes_f[:, 3] - boxes_f[:, 1]
    valid = (scores_f > 0.05) & (ws >= 1.0) & (hs >= 1.0)
    NEG = -1e9
    keep = jnp.zeros(boxes_f.shape[0], dtype=bool)
    for c in range(1, NUM_CLASSES):
        cmask = valid & (labels_f == c)
        s0 = jnp.where(cmask, scores_f, NEG)

        def body(i, st):
            kp, s = st
            idx = jnp.argmax(s)
            ok = s[idx] > NEG * 0.5
            kp = kp.at[idx].set(kp[idx] | ok)
            ious = _iou_one_vs_all(boxes_f[idx], boxes_f)
            sup = (ious > 0.5) & ok
            s = jnp.where(sup, NEG, s)
            s = s.at[idx].set(NEG)
            return (kp, s)

        keep, _ = jax.lax.fori_loop(0, 100, body, (keep, s0))
    final_scores = jnp.where(keep & valid, scores_f, NEG)
    top_s, top_i = jax.lax.top_k(final_scores, 100)
    return boxes_f[top_i], top_s, labels_f[top_i]


def reference(feat, proposals, img_shape, target, W6, b6, W7, b7, Wc, bc, Wb, bb):
    return _forward(feat, proposals, W6, b6, W7, b7, Wc, bc, Wb, bb, img_shape)

if __name__ == "__main__":
    import jax
    _d = setup_inputs()
    print(jax.jit(kernel)(*tuple(_d.values())))

</pallas_src>

<mosaic_0001>
module attributes {stable_mosaic.version = 14 : i64} {
  func.func @_mm1_kernel(%arg0: i32, %arg1: i32, %arg2: memref<128x1792xf32, #tpu.memory_space<vmem>>, %arg3: memref<1792x1024xf32, #tpu.memory_space<vmem>>, %arg4: memref<1x1024xf32, #tpu.memory_space<vmem>>, %arg5: memref<128x1024xf32, #tpu.memory_space<vmem>>) attributes {dimension_semantics = [#tpu.dimension_semantics<arbitrary>, #tpu.dimension_semantics<arbitrary>], iteration_bounds = array<i64: 8, 7>, scalar_prefetch = 0 : i64, scratch_operands = 0 : i64, tpu.core_type = #tpu.core_type<tc>, window_params = [{transform_indices = @transform_0, window_bounds = array<i64: 128, 1792>}, {transform_indices = @transform_1, window_bounds = array<i64: 1792, 1024>}, {pipeline_mode = #tpu.pipeline_mode<synchronous>, transform_indices = @transform_2, window_bounds = array<i64: 1, 1024>}, {transform_indices = @transform_3, window_bounds = array<i64: 128, 1024>}]} {
    %eq3A = arith.constant 0 : i32
    %eq3A_0 = arith.cmpi eq, %arg1, %eq3A : i32
    %convert_element_type3A = arith.extui %eq3A_0 : i1 to i32
    %cond3A = arith.constant 0 : i32
    %cond3A_1 = arith.cmpi ne, %convert_element_type3A, %cond3A : i32
    scf.if %cond3A_1 {
      %broadcast_in_dim3A = arith.constant 0.000000e+00 : f32
      %broadcast_in_dim3A_18 = vector.broadcast %broadcast_in_dim3A : f32 to vector<128x1024xf32>
      %swap3A_19 = arith.constant 0 : index
      %swap3A_20 = arith.constant 0 : index
      %swap3A_21 = vector.load %arg5[%swap3A_19, %swap3A_20] : memref<128x1024xf32, #tpu.memory_space<vmem>>, vector<128x1024xf32>
      tpu.vector_store %arg5[%swap3A_19, %swap3A_20], %broadcast_in_dim3A_18 {strides = array<i32>} : memref<128x1024xf32, #tpu.memory_space<vmem>>, vector<128x1024xf32>,
    } else {
    }
    %get3A = arith.constant 0 : index
    %get3A_2 = arith.constant 0 : index
    %get3A_3 = vector.load %arg5[%get3A, %get3A_2] : memref<128x1024xf32, #tpu.memory_space<vmem>>, vector<128x1024xf32>
    %get3A_4 = arith.constant 0 : index
    %get3A_5 = arith.constant 0 : index
    %get3A_6 = vector.load %arg2[%get3A_4, %get3A_5] : memref<128x1792xf32, #tpu.memory_space<vmem>>, vector<128x1792xf32>
    %get3A_7 = arith.constant 0 : index
    %get3A_8 = arith.constant 0 : index
    %get3A_9 = vector.load %arg3[%get3A_7, %get3A_8] : memref<1792x1024xf32, #tpu.memory_space<vmem>>, vector<1792x1024xf32>
    %dot_general3A = arith.constant dense<0.000000e+00> : vector<128x1024xf32>
    %dot_general3A_10 = tpu.matmul %get3A_6, %get3A_9, %dot_general3A {dimension_numbers = #tpu.dot_dimension_numbers<[1], [0], [0], [1], [0, 0, 1, 1], [], []>, transpose_lhs_hint = false} : vector<128x1792xf32>, vector<1792x1024xf32>, vector<128x1024xf32> -> vector<128x1024xf32>
    %add3A = arith.addf %get3A_3, %dot_general3A_10 : vector<128x1024xf32>
    %swap3A = arith.constant 0 : index
    %swap3A_11 = arith.constant 0 : index
    %swap3A_12 = vector.load %arg5[%swap3A, %swap3A_11] : memref<128x1024xf32, #tpu.memory_space<vmem>>, vector<128x1024xf32>
    tpu.vector_store %arg5[%swap3A, %swap3A_11], %add3A {strides = array<i32>} : memref<128x1024xf32, #tpu.memory_space<vmem>>, vector<128x1024xf32>,
    %eq3A_13 = arith.constant 6 : i32
    %eq3A_14 = arith.cmpi eq, %arg1, %eq3A_13 : i32
    %convert_element_type3A_15 = arith.extui %eq3A_14 : i1 to i32
    %cond3A_16 = arith.constant 0 : i32
    %cond3A_17 = arith.cmpi ne, %convert_element_type3A_15, %cond3A_16 : i32
    scf.if %cond3A_17 {
      %get3A_18 = arith.constant 0 : index
      %get3A_19 = arith.constant 0 : index
      %get3A_20 = vector.load %arg5[%get3A_18, %get3A_19] : memref<128x1024xf32, #tpu.memory_space<vmem>>, vector<128x1024xf32>
      %get3A_21 = arith.constant 0 : index
      %get3A_22 = arith.constant 0 : index
      %get3A_23 = vector.load %arg4[%get3A_21, %get3A_22] : memref<1x1024xf32, #tpu.memory_space<vmem>>, vector<1x1024xf32>
      %add3A_24 = vector.broadcast %get3A_23 : vector<1x1024xf32> to vector<128x1024xf32>
      %add3A_25 = arith.addf %get3A_20, %add3A_24 : vector<128x1024xf32>
      %max3A = arith.constant 0.000000e+00 : f32
      %max3A_26 = vector.broadcast %max3A : f32 to vector<128x1024xf32>
      %max3A_27 = arith.maximumf %add3A_25, %max3A_26 : vector<128x1024xf32>
      %swap3A_28 = arith.constant 0 : index
      %swap3A_29 = arith.constant 0 : index
      %swap3A_30 = vector.load %arg5[%swap3A_28, %swap3A_29] : memref<128x1024xf32, #tpu.memory_space<vmem>>, vector<128x1024xf32>
      tpu.vector_store %arg5[%swap3A_28, %swap3A_29], %max3A_27 {strides = array<i32>} : memref<128x1024xf32, #tpu.memory_space<vmem>>, vector<128x1024xf32>,
    } else {
    }
    return
  }
  func.func @transform_0(%arg0: i32, %arg1: i32) -> (i32, i32) {
    %c0_i32 = arith.constant 0 : i32
    return %arg0, %arg1 : i32, i32
  }
  func.func @transform_1(%arg0: i32, %arg1: i32) -> (i32, i32) {
    %c0_i32 = arith.constant 0 : i32
    %c0_i32_0 = arith.constant 0 : i32
    return %arg1, %c0_i32 : i32, i32
  }
  func.func @transform_2(%arg0: i32, %arg1: i32) -> (i32, i32) {
    %c0_i32 = arith.constant 0 : i32
    %c0_i32_0 = arith.constant 0 : i32
    %c0_i32_1 = arith.constant 0 : i32
    return %c0_i32, %c0_i32_0 : i32, i32
  }
  func.func @transform_3(%arg0: i32, %arg1: i32) -> (i32, i32) {
    %c0_i32 = arith.constant 0 : i32
    %c0_i32_0 = arith.constant 0 : i32
    return %arg0, %c0_i32 : i32, i32
  }
}

module attributes {stable_mosaic.version = 14 : i64} {
  func.func @_head_kernel(%arg0: memref<1024x1024xf32, #tpu.memory_space<vmem>>, %arg1: memref<1024x1024xf32, #tpu.memory_space<vmem>>, %arg2: memref<1x1024xf32, #tpu.memory_space<vmem>>, %arg3: memref<1024x128xf32, #tpu.memory_space<vmem>>, %arg4: memref<1x128xf32, #tpu.memory_space<vmem>>, %arg5: memref<1024x128xf32, #tpu.memory_space<vmem>>) attributes {dimension_semantics = [], scalar_prefetch = 0 : i64, scratch_operands = 0 : i64, tpu.core_type = #tpu.core_type<tc>} {
    %get3A = arith.constant 0 : index
    %get3A_0 = arith.constant 0 : index
    %get3A_1 = vector.load %arg0[%get3A, %get3A_0] : memref<1024x1024xf32, #tpu.memory_space<vmem>>, vector<1024x1024xf32>
    %get3A_2 = arith.constant 0 : index
    %get3A_3 = arith.constant 0 : index
    %get3A_4 = vector.load %arg1[%get3A_2, %get3A_3] : memref<1024x1024xf32, #tpu.memory_space<vmem>>, vector<1024x1024xf32>
    %dot_general3A = arith.constant dense<0.000000e+00> : vector<1024x1024xf32>
    %dot_general3A_5 = tpu.matmul %get3A_1, %get3A_4, %dot_general3A {dimension_numbers = #tpu.dot_dimension_numbers<[1], [0], [0], [1], [0, 0, 1, 1], [], []>, transpose_lhs_hint = false} : vector<1024x1024xf32>, vector<1024x1024xf32>, vector<1024x1024xf32> -> vector<1024x1024xf32>
    %get3A_6 = arith.constant 0 : index
    %get3A_7 = arith.constant 0 : index
    %get3A_8 = vector.load %arg2[%get3A_6, %get3A_7] : memref<1x1024xf32, #tpu.memory_space<vmem>>, vector<1x1024xf32>
    %add3A = vector.broadcast %get3A_8 : vector<1x1024xf32> to vector<1024x1024xf32>
    %add3A_9 = arith.addf %dot_general3A_5, %add3A : vector<1024x1024xf32>
    %max3A = arith.constant 0.000000e+00 : f32
    %max3A_10 = vector.broadcast %max3A : f32 to vector<1024x1024xf32>
    %max3A_11 = arith.maximumf %add3A_9, %max3A_10 : vector<1024x1024xf32>
    %get3A_12 = arith.constant 0 : index
    %get3A_13 = arith.constant 0 : index
    %get3A_14 = vector.load %arg3[%get3A_12, %get3A_13] : memref<1024x128xf32, #tpu.memory_space<vmem>>, vector<1024x128xf32>
    %dot_general3A_15 = arith.constant dense<0.000000e+00> : vector<1024x128xf32>
    %dot_general3A_16 = tpu.matmul %max3A_11, %get3A_14, %dot_general3A_15 {dimension_numbers = #tpu.dot_dimension_numbers<[1], [0], [0], [1], [0, 0, 1, 1], [], []>, transpose_lhs_hint = false} : vector<1024x1024xf32>, vector<1024x128xf32>, vector<1024x128xf32> -> vector<1024x128xf32>
    %get3A_17 = arith.constant 0 : index
    %get3A_18 = arith.constant 0 : index
    %get3A_19 = vector.load %arg4[%get3A_17, %get3A_18] : memref<1x128xf32, #tpu.memory_space<vmem>>, vector<1x128xf32>
    %add3A_20 = vector.broadcast %get3A_19 : vector<1x128xf32> to vector<1024x128xf32>
    %add3A_21 = arith.addf %dot_general3A_16, %add3A_20 : vector<1024x128xf32>
    %swap3A = arith.constant 0 : index
    %swap3A_22 = arith.constant 0 : index
    %swap3A_23 = vector.load %arg5[%swap3A, %swap3A_22] : memref<1024x128xf32, #tpu.memory_space<vmem>>, vector<1024x128xf32>
    tpu.vector_store %arg5[%swap3A, %swap3A_22], %add3A_21 {strides = array<i32>} : memref<1024x128xf32, #tpu.memory_space<vmem>>, vector<1024x128xf32>,
    return
  }
}

module attributes {stable_mosaic.version = 14 : i64} {
  func.func @_nms_kernel(%arg0: memref<32x1024xf32, #tpu.memory_space<vmem>>, %arg1: memref<32x1024xf32, #tpu.memory_space<vmem>>, %arg2: memref<32x1024xf32, #tpu.memory_space<vmem>>, %arg3: memref<32x1024xf32, #tpu.memory_space<vmem>>, %arg4: memref<32x1024xf32, #tpu.memory_space<vmem>>, %arg5: memref<32x1024xf32, #tpu.memory_space<vmem>>) attributes {dimension_semantics = [], scalar_prefetch = 0 : i64, scratch_operands = 0 : i64, tpu.core_type = #tpu.core_type<tc>} {
    %get3A = arith.constant 0 : index
    %get3A_0 = arith.constant 0 : index
    %get3A_1 = vector.load %arg0[%get3A, %get3A_0] : memref<32x1024xf32, #tpu.memory_space<vmem>>, vector<32x1024xf32>
    %get3A_2 = arith.constant 0 : index
    %get3A_3 = arith.constant 0 : index
    %get3A_4 = vector.load %arg1[%get3A_2, %get3A_3] : memref<32x1024xf32, #tpu.memory_space<vmem>>, vector<32x1024xf32>
    %get3A_5 = arith.constant 0 : index
    %get3A_6 = arith.constant 0 : index
    %get3A_7 = vector.load %arg2[%get3A_5, %get3A_6] : memref<32x1024xf32, #tpu.memory_space<vmem>>, vector<32x1024xf32>
    %get3A_8 = arith.constant 0 : index
    %get3A_9 = arith.constant 0 : index
    %get3A_10 = vector.load %arg3[%get3A_8, %get3A_9] : memref<32x1024xf32, #tpu.memory_space<vmem>>, vector<32x1024xf32>
    %sub3A = arith.subf %get3A_7, %get3A_1 : vector<32x1024xf32>
    %max3A = arith.constant 0.000000e+00 : f32
    %max3A_11 = vector.broadcast %max3A : f32 to vector<32x1024xf32>
    %max3A_12 = arith.maximumf %sub3A, %max3A_11 : vector<32x1024xf32>
    %sub3A_13 = arith.subf %get3A_10, %get3A_4 : vector<32x1024xf32>
    %max3A_14 = arith.constant 0.000000e+00 : f32
    %max3A_15 = vector.broadcast %max3A_14 : f32 to vector<32x1024xf32>
    %max3A_16 = arith.maximumf %sub3A_13, %max3A_15 : vector<32x1024xf32>
    %mul3A = arith.mulf %max3A_12, %max3A_16 : vector<32x1024xf32>
    %iota3A = tpu.iota {dimensions = array<i32: 1>} : vector<32x1024xi32>
    %broadcast_in_dim3A = arith.constant 0.000000e+00 : f32
    %broadcast_in_dim3A_17 = vector.broadcast %broadcast_in_dim3A : f32 to vector<32x1024xf32>
    %get3A_18 = arith.constant 0 : index
    %get3A_19 = arith.constant 0 : index
    %get3A_20 = vector.load %arg4[%get3A_18, %get3A_19] : memref<32x1024xf32, #tpu.memory_space<vmem>>, vector<32x1024xf32>
    %scan3A = arith.constant 0 : i32
    %scan3A_21 = arith.constant 100 : i32
    %scan3A_22 = arith.addi %scan3A, %scan3A_21 : i32
    %scan3A_23 = arith.constant 1 : i32
    %scan3A_24:2 = scf.for %scan3A_27 = %scan3A to %scan3A_22 step %scan3A_23 iter_args(%scan3A_28 = %broadcast_in_dim3A_17, %scan3A_29 = %get3A_20) -> (vector<32x1024xf32>, vector<32x1024xf32>)  : i32 {
      %reduce_max3A = arith.constant dense<0xFF800000> : vector<32xf32>
      %reduce_max3A_30 = vector.multi_reduction <maximumf>, %scan3A_29, %reduce_max3A [1] : vector<32x1024xf32> to vector<32xf32>
      %broadcast_in_dim3A_31 = vector.shape_cast %reduce_max3A_30 : vector<32xf32> to vector<32x1xf32>
      %eq3A = vector.broadcast %broadcast_in_dim3A_31 : vector<32x1xf32> to vector<32x1024xf32>
      %eq3A_32 = arith.cmpf oeq, %scan3A_29, %eq3A : vector<32x1024xf32>
      %jit3A = arith.constant 1024 : i32
      %broadcast_in_dim3A_33 = vector.broadcast %jit3A : i32 to vector<32x1024xi32>
      %select_n3A = arith.select %eq3A_32, %iota3A, %broadcast_in_dim3A_33 : vector<32x1024xi1>, vector<32x1024xi32>
      %reduce_min3A = arith.constant dense<2147483647> : vector<32xi32>
      %reduce_min3A_34 = vector.multi_reduction <minsi>, %select_n3A, %reduce_min3A [1] : vector<32x1024xi32> to vector<32xi32>
      %broadcast_in_dim3A_35 = vector.shape_cast %reduce_min3A_34 : vector<32xi32> to vector<32x1xi32>
      %eq3A_36 = vector.broadcast %broadcast_in_dim3A_35 : vector<32x1xi32> to vector<32x1024xi32>
      %eq3A_37 = arith.cmpi eq, %iota3A, %eq3A_36 : vector<32x1024xi32>
      %gt3A = arith.constant -5.000000e+08 : f32
      %gt3A_38 = vector.broadcast %gt3A : f32 to vector<32x1xf32>
      %gt3A_39 = arith.cmpf ogt, %broadcast_in_dim3A_31, %gt3A_38 : vector<32x1xf32>
      %and3A = vector.broadcast %gt3A_39 : vector<32x1xi1> to vector<32x1024xi1>
      %and3A_40 = arith.andi %eq3A_37, %and3A : vector<32x1024xi1>
      %jit3A_41 = arith.constant 1.000000e+00 : f32
      %broadcast_in_dim3A_42 = vector.broadcast %jit3A_41 : f32 to vector<32x1024xf32>
      %select_n3A_43 = arith.select %and3A_40, %broadcast_in_dim3A_42, %scan3A_28 : vector<32x1024xi1>, vector<32x1024xf32>
      %jit3A_44 = arith.constant 0.000000e+00 : f32
      %broadcast_in_dim3A_45 = vector.broadcast %jit3A_44 : f32 to vector<32x1024xf32>
      %select_n3A_46 = arith.select %eq3A_37, %get3A_1, %broadcast_in_dim3A_45 : vector<32x1024xi1>, vector<32x1024xf32>
      %reduce_sum3A = arith.constant dense<0.000000e+00> : vector<32xf32>
      %reduce_sum3A_47 = vector.multi_reduction <add>, %select_n3A_46, %reduce_sum3A [1] : vector<32x1024xf32> to vector<32xf32>
      %broadcast_in_dim3A_48 = vector.shape_cast %reduce_sum3A_47 : vector<32xf32> to vector<32x1xf32>
      %jit3A_49 = arith.constant 0.000000e+00 : f32
      %broadcast_in_dim3A_50 = vector.broadcast %jit3A_49 : f32 to vector<32x1024xf32>
      %select_n3A_51 = arith.select %eq3A_37, %get3A_4, %broadcast_in_dim3A_50 : vector<32x1024xi1>, vector<32x1024xf32>
      %reduce_sum3A_52 = arith.constant dense<0.000000e+00> : vector<32xf32>
      %reduce_sum3A_53 = vector.multi_reduction <add>, %select_n3A_51, %reduce_sum3A_52 [1] : vector<32x1024xf32> to vector<32xf32>
      %broadcast_in_dim3A_54 = vector.shape_cast %reduce_sum3A_53 : vector<32xf32> to vector<32x1xf32>
      %jit3A_55 = arith.constant 0.000000e+00 : f32
      %broadcast_in_dim3A_56 = vector.broadcast %jit3A_55 : f32 to vector<32x1024xf32>
      %select_n3A_57 = arith.select %eq3A_37, %get3A_7, %broadcast_in_dim3A_56 : vector<32x1024xi1>, vector<32x1024xf32>
      %reduce_sum3A_58 = arith.constant dense<0.000000e+00> : vector<32xf32>
      %reduce_sum3A_59 = vector.multi_reduction <add>, %select_n3A_57, %reduce_sum3A_58 [1] : vector<32x1024xf32> to vector<32xf32>
      %broadcast_in_dim3A_60 = vector.shape_cast %reduce_sum3A_59 : vector<32xf32> to vector<32x1xf32>
      %jit3A_61 = arith.constant 0.000000e+00 : f32
      %broadcast_in_dim3A_62 = vector.broadcast %jit3A_61 : f32 to vector<32x1024xf32>
      %select_n3A_63 = arith.select %eq3A_37, %get3A_10, %broadcast_in_dim3A_62 : vector<32x1024xi1>, vector<32x1024xf32>
      %reduce_sum3A_64 = arith.constant dense<0.000000e+00> : vector<32xf32>
      %reduce_sum3A_65 = vector.multi_reduction <add>, %select_n3A_63, %reduce_sum3A_64 [1] : vector<32x1024xf32> to vector<32xf32>
      %broadcast_in_dim3A_66 = vector.shape_cast %reduce_sum3A_65 : vector<32xf32> to vector<32x1xf32>
      %sub3A_67 = arith.subf %broadcast_in_dim3A_60, %broadcast_in_dim3A_48 : vector<32x1xf32>
      %max3A_68 = arith.constant 0.000000e+00 : f32
      %max3A_69 = vector.broadcast %max3A_68 : f32 to vector<32x1xf32>
      %max3A_70 = arith.maximumf %sub3A_67, %max3A_69 : vector<32x1xf32>
      %sub3A_71 = arith.subf %broadcast_in_dim3A_66, %broadcast_in_dim3A_54 : vector<32x1xf32>
      %max3A_72 = arith.constant 0.000000e+00 : f32
      %max3A_73 = vector.broadcast %max3A_72 : f32 to vector<32x1xf32>
      %max3A_74 = arith.maximumf %sub3A_71, %max3A_73 : vector<32x1xf32>
      %mul3A_75 = arith.mulf %max3A_70, %max3A_74 : vector<32x1xf32>
      %max3A_76 = vector.broadcast %broadcast_in_dim3A_48 : vector<32x1xf32> to vector<32x1024xf32>
      %max3A_77 = arith.maximumf %max3A_76, %get3A_1 : vector<32x1024xf32>
      %max3A_78 = vector.broadcast %broadcast_in_dim3A_54 : vector<32x1xf32> to vector<32x1024xf32>
      %max3A_79 = arith.maximumf %max3A_78, %get3A_4 : vector<32x1024xf32>
      %min3A = vector.broadcast %broadcast_in_dim3A_60 : vector<32x1xf32> to vector<32x1024xf32>
      %min3A_80 = arith.minimumf %min3A, %get3A_7 : vector<32x1024xf32>
      %min3A_81 = vector.broadcast %broadcast_in_dim3A_66 : vector<32x1xf32> to vector<32x1024xf32>
      %min3A_82 = arith.minimumf %min3A_81, %get3A_10 : vector<32x1024xf32>
      %sub3A_83 = arith.subf %min3A_80, %max3A_77 : vector<32x1024xf32>
      %max3A_84 = arith.constant 0.000000e+00 : f32
      %max3A_85 = vector.broadcast %max3A_84 : f32 to vector<32x1024xf32>
      %max3A_86 = arith.maximumf %sub3A_83, %max3A_85 : vector<32x1024xf32>
      %sub3A_87 = arith.subf %min3A_82, %max3A_79 : vector<32x1024xf32>
      %max3A_88 = arith.constant 0.000000e+00 : f32
      %max3A_89 = vector.broadcast %max3A_88 : f32 to vector<32x1024xf32>
      %max3A_90 = arith.maximumf %sub3A_87, %max3A_89 : vector<32x1024xf32>
      %mul3A_91 = arith.mulf %max3A_86, %max3A_90 : vector<32x1024xf32>
      %add3A = vector.broadcast %mul3A_75 : vector<32x1xf32> to vector<32x1024xf32>
      %add3A_92 = arith.addf %add3A, %mul3A : vector<32x1024xf32>
      %sub3A_93 = arith.subf %add3A_92, %mul3A_91 : vector<32x1024xf32>
      %add3A_94 = arith.constant 9.99999971E-10 : f32
      %add3A_95 = vector.broadcast %add3A_94 : f32 to vector<32x1024xf32>
      %add3A_96 = arith.addf %sub3A_93, %add3A_95 : vector<32x1024xf32>
      %div3A = arith.divf %mul3A_91, %add3A_96 : vector<32x1024xf32>
      %gt3A_97 = arith.constant 5.000000e-01 : f32
      %gt3A_98 = vector.broadcast %gt3A_97 : f32 to vector<32x1024xf32>
      %gt3A_99 = arith.cmpf ogt, %div3A, %gt3A_98 : vector<32x1024xf32>
      %and3A_100 = vector.broadcast %gt3A_39 : vector<32x1xi1> to vector<32x1024xi1>
      %and3A_101 = arith.andi %gt3A_99, %and3A_100 : vector<32x1024xi1>
      %or3A = arith.ori %and3A_101, %eq3A_37 : vector<32x1024xi1>
      %jit3A_102 = arith.constant -1.000000e+09 : f32
      %broadcast_in_dim3A_103 = vector.broadcast %jit3A_102 : f32 to vector<32x1024xf32>
      %select_n3A_104 = arith.select %or3A, %broadcast_in_dim3A_103, %scan3A_29 : vector<32x1024xi1>, vector<32x1024xf32>
      scf.yield %select_n3A_43, %select_n3A_104 : vector<32x1024xf32>, vector<32x1024xf32>
    }
    %swap3A = arith.constant 0 : index
    %swap3A_25 = arith.constant 0 : index
    %swap3A_26 = vector.load %arg5[%swap3A, %swap3A_25] : memref<32x1024xf32, #tpu.memory_space<vmem>>, vector<32x1024xf32>
    tpu.vector_store %arg5[%swap3A, %swap3A_25], %scan3A_24#0 {strides = array<i32>} : memref<32x1024xf32, #tpu.memory_space<vmem>>, vector<32x1024xf32>,
    return
  }
}

</mosaic_0001>

<sc_bundles>
// kernel: sparse-core-data-format-call.1.cloned.1.call-start
scs
called_computation.1_lowered:
.L_overlay_start_0:
0x0: {  	s1 =	sld [smem:$0x3FD9]  }
0x1: {  	s2 =	sld [smem:$0x3FFE];
	_ =	sdelay $0x1  }
0x2: {  	s3 =	srdreg.scid  }
0x3: {  	s0 =	sand.u32 $0x1, s3  }
0x4: {  	s17 =	sshll.u32 s0, $0xA;
	s1 =	sadd.s32 s2, s1  }
0x5: {  	s1 =	sadd.s32 s1, s17  }
0x6: {  	[smem:$0x3FBD] =	sst s1  }
0x7: {  	_ = 	snop  }
0x8: {  	(tm) =	ssettm $0x1  }
0x9: {  	s18 =	sld [smem:$0x3FFB];
	_ =	sdelay $0x3  }
0xa: {  	_ =	strace s18  }
0xb: {  	s1 =	sld [smem:$0x3FFC];
	_ =	sdelay $0x3  }
0xc: {  	_ =	strace s1  }
0xd: {  	s1 =	sld [smem:$0x3FFD];
	_ =	sdelay $0x3  }
0xe: {  	_ =	strace s1  }
0xf: {  	_ =	strace $0x8FFFFFFF  }
0x10: {  	s19 =	sld [smem:$0x3FDB];
	_ =	sdelay $0x1  }
0x11: {  	s20 =	simm.s32 $_scs_section_size  }
0x12: {  	s4 =	simm.s32 $_size__tile_overlayer_lowered;
	s5 =	simm.s32 $_tile_overlayer_lowered  }
0x13: {  	s23 =	simm.s32 $0x1BFF;
	s22 =	sshll.u32 s5, $0x1;
	s1 =	sadd.s32 s20, s19  }
0x14: {  	s6 =	simm.s32 $0x0;
	s21 =	sshll.u32 s4, $0x1;
	s4 =	sadd.s32 s22, s1  }
0x15: {  	[timem:s6], [sflag:s23] =	dma.local [hbm:s4], s21  }
0x16: {  	_ =	swait.ge [sflag:s23], s21  }
0x17: {  	s2 =	ssub.s32 $0x0, s21;
	[sflag:s23] =	ssyncset.done $0x0  }
0x18: {  	[sflag:s23] =	ssyncadd.s32 s2;
	_ =	sdelay $0x1  }
0x19: {  	s24 =	simm.s32 $0x1B8B  }
0x1a: {  	_ =	swait.ge [sflag:s24], $0x1  }
0x1b: {  	[sflag:s24] =	ssyncset.done $0x0  }
0x1c: {  	s26 =	simm.s32 $0x1B8E;
	s25 =	sld [smem:$0x3FFE];
	[sflag:s24] =	ssyncadd.s32 $0xFFFFFFFF  }
0x1d: {  	s27 =	simm.s32 $execute0_lowered;
	[smem:$0x3FD2] =	sst s26  }
0x1e: {  	s4 =	sshll.u32 s27, $0x1;
	_ =	strace $0x80000049;
	[dreg:$0x1] =	wrdreg $0xFFFFFFFF  }
0x1f: {  	s28 =	simm.s32 $_size_execute0_lowered;
	s1 =	sadd.s32 s1, s4;
	[dreg:$0x0] =	wrdreg $0x0  }
0x20: {  	s4 =	sshll.u32 s28, $0x1;
	[dreg:$0x2] =	wrdreg s1  }
0x21: {  	[dreg:$0x3] =	wrdreg s4  }
0x22: {  	[dreg:$0x4] =	wrdreg $0xC0  }
0x23: {  	_ =	task [dreg:s6], $0x5FFFF  }
0x24: {  	[dreg:$0x1] =	wrdreg $0xFFFFFFFF  }
0x25: {  	[dreg:$0x0] =	wrdreg $0x60  }
0x26: {  	[dreg:$0x2] =	wrdreg s25  }
0x27: {  	[dreg:$0x3] =	wrdreg $0xA  }
0x28: {  	_ =	task.clear_ibuf [dreg:s6], $0x4FFFF;
	_ =	strace $0x90000049  }
0x29: {  	s29 =	simm.s32 $0xA;
	_ =	strace $0x8000004B  }
0x2a: {  	_ =	swait.ge [sflag:s29], $0x1  }
0x2b: {  	[sflag:s29] =	ssyncadd.s32 $0xFFFFFFFF  }
0x2c: {  	_ =	strace $0x9000004B  }
0x2d: {  	_ =	sfence  }
0x2e: {  	s30 =	sld [smem:$0x0];
	_ =	sdelay $0x2  }
0x2f: {  	s31 =	sshll.u32 s3, $0xD;
	s3 =	sshrl.u32 s3, $0x2  }
0x30: {  	s2 =	sand.u32 $0x4000, s31;
	s1 =	sadd.s32 s3, s30  }
0x31: {  	s0 =	sor.u32 s2, s0;
	s1 =	sshll.u32 s1, $0x11  }
0x32: {  	s0 =	sor.u32 s1, s0  }
0x33: {  	s0 =	sadd.s32 $0x8F2B, s0  }
0x34: {  	[sflag:s0] =	ssyncadd.remote.s32 $0x1  }
0x35: {  	_ =	sfence.sel $0xFFFF  }
0x36: {  	[dreg:$0x0] =	wrdreg $0xFFFFFFFF;
	(pc) =	sbr.abs _section_cstart, $3  }
0x37: {  	[dreg:$0x1] =	wrdreg $0xFFFFFFFF  }
0x38: {  	_ =	task.clear_ibuf [dreg:s6], $0x2FFFF;
	_ =	strace $0x9FFFFFFF  }
0x39: {  	(tm) =	ssettm $0x7FFFFFFF  }
tec
execute0_lowered:
.L_overlay_start_1:
0x0: {  	(tag) =	ssettag $0x1  }
0x1: {  	s2 =	rddreg [dreg:$0x0];
	s1 =	stileid.u32  }
0x2: {  	s3 =	srdreg.scid;
	s0 =	rddreg [dreg:$0x1];
	_ =	strace $0x8000004A  }
0x3: {  	s10 =	simm.s32 $0x2;
	s14 =	simm.s32 $0x0;
	s16 =	simm.s32 $0x0  }
0x4: {  	s12 =	simm.s32 $0x0;
	s3 =	sshll.u32 s3, $0x4;
	s4 =	sshll.u32 s1, $0x7  }
0x5: {  	s15 =	simm.s32 $0x0;
	s5 =	sand.u32 $0x10, s3;
	s3 =	sand.u32 $0x180, s4  }
0x6: {  	s4 =	sadd.s32 $0x1B5800, s2;
	s8 =	sor.u32 s1, s5;
	s6 =	ssub.s32 $0x3100, s3  }
0x7: {  	s5 =	simm.s32 $0x1;
	s13 =	smov.u32 s3;
	s7 =	sshll.u32 s8, $0x5  }
.Ltmp0:
0x8: {  	s9 =	sand.u32 $0x180, s6;
	[sflag:s5] =	ssyncpa.u1 $0x0;
	(pc) =	sbr.rel .LBB1_1-.Ltmp0, $4  }
0x9: {  	s11 =	sshrl.u32 s6, $0x9;
	p0 =	sne.s32 s9, $0x0;
	s9 =	simm.s32 $0x1  }
0xa: {  	s8 =	sshll.u32 s8, $0x8;
	s6 =	sand.u32 $0x380, s7;
	s9 =	simm.s32 @!p0 $0x0  }
0xb: {  	[sflag:s10] =	ssyncpa.u1 $0x0;
	s10 =	simm.s32 $0x18800;
	s7 =	sadd.s32 s9, s11  }
0xc: {  	p0 =	por $0x0, $0x0;
	s11 =	simm.s32 $0x0;
	s9 =	sadd.s32 $0x1, s7  }
.LBB1_4:
0xd: {  	s22 =	sshrl.u32 s11, $0x3  }
0xe: {  	s23 =	sshll.u32 s12, $0x3;
	s24 =	sand.u32 $0x7F, s12;
	s22 =	smul.u32 $0x18800, s22  }
0xf: {  	v5 =	vld [tilespmem:s18+$0xFFFFFFD0];
	s21 =	sshra.s32 s21, $0x2;
	s25 =	sshra.s32 s12, $0x1F;
	s23 =	sand.u32 $0xFFFFFC00, s23  }
0x10: {  	[tilespmem:s20+$0x2040 ss:$0x81] =	vst.msk $0xffff, v4;
	v58 =	vld [tilespmem:s18+$0xFFFFFFE0];
	p1 =	sgt.s32 s12, $0x3080;
	s25 =	sand.u32 s25, s12;
	s22 =	sadd.s32 s23, s22  }
0x11: {  	[tilespmem:s20+$0x2850 ss:$0x81] =	vst.msk $0xffff, v3;
	v59 =	vld [tilespmem:s18+$0xFFFFFFF0];
	s23 =	sor.u32 s24, s22;
	s22 =	smulhi.u32 $0x5397829D, s22;
	s24 =	smov.u32 s12  }
0x12: {  	[tilespmem:s20+$0x3060 ss:$0x81] =	vst.msk $0xffff, v2;
	v60 =	vld [tilespmem:s18+$0x0];
	s19 =	sadd.s32 s21, s19;
	s26 =	smulhi.u32 $0x5397829D, s23;
	s24 =	simm.s32 @!p1 $0x3080  }
0x13: {  	[tilespmem:s20+$0x0 ss:$0x81] =	vst.msk $0xffff, v0;
	v61 =	vld [tilespmem:s18+$0x10];
	p1 =	sgt.s32 s11, $0x368;
	s28 =	sshrl.u32 s22, $0xC;
	s29 =	ssub.s32 s24, s25  }
0x14: {  	[tilespmem:s19+$0x3870 ss:$0x81] =	vst.msk $0xffff, v1;
	s30 =	sshrl.u32 s26, $0xC;
	s31 =	smulhi.u32 $0x418938, s28;
	s25 =	sadd.s32 $0xFFFFCF80, s29  }
0x15: {  	v62 =	vld [tilespmem:s18+$0x20];
	[tilespmem:s19+$0x810 ss:$0x81] =	vst.msk $0xffff, v5;
	s22 =	smul.u32 $0x3100, s30;
	p2 =	sgt.s32 s25, $0x7F;
	s25 =	smov.u32 s11  }
0x16: {  	v63 =	vld [tilespmem:s18+$0xFFFFFFC0];
	[tilespmem:s19+$0x1020 ss:$0x81] =	vst.msk $0xffff, v58;
	s21 =	ssub.s32 $0x3100, s29;
	s25 =	simm.s32 @!p1 $0x368;
	s26 =	smul.u32 $0x3E8, s31  }
0x17: {  	[tilespmem:s19+$0x1830 ss:$0x81] =	vst.msk $0xffff, v59;
	s21 =	simm.s32 @p2 $0x0;
	s27 =	ssub.s32 $0x3E8, s25  }
0x18: {  	[tilespmem:s19+$0x2040 ss:$0x81] =	vst.msk $0xffff, v60;
	s22 =	ssub.s32 s23, s22;
	s18 =	ssub.s32 s28, s26;
	s28 =	smul.u32 s27, s21  }
0x19: {  	[tilespmem:s19+$0x2850 ss:$0x81] =	vst.msk $0xffff, v61;
	s29 =	sshrl.u32 s22, $0x3;
	s22 =	sand.u32 $0x7, s22;
	s18 =	smul.u32 $0x620, s18  }
0x1a: {  	[tilespmem:s19+$0x3060 ss:$0x81] =	vst.msk $0xffff, v62;
	s21 =	sadd.s32 s2, s29;
	s22 =	sshll.u32 s22, $0x12  }
0x1b: {  	[tilespmem:s19+$0x0 ss:$0x81] =	vst.msk $0xffff, v63;
	s30 =	sand.u32 $0x3FFFFFF8, s28;
	s31 =	sor.u32 $0x400, s22;
	s18 =	sadd.s32 s18, s21  }
0x1c: {  	[hbm4b:s18+s31] =	stream.strided.scatter [tilespmem:s17], [sflag:$0x2], s30, s10, s31, $0x20;
	[tilespmem:$0x10100] =	vst v63  }
.LBB1_5:
0x1d: {  	p1 =	slt.u32 s15, $0x2  }
0x1e: {  	p2 =	sgt.s32 @!p1 s16, $0x3080  }
0x1f: {  	s17 =	smov.u32 s16;
	s18 =	sshra.s32 @!p1 s16, $0x1F;
	p2 =	por !p2, p1  }
0x20: {  	s16 =	sand.u32 @!p1 s18, s16;
	s17 =	simm.s32 @p2 $0x3080  }
0x21: {  	s16 =	ssub.s32 @!p1 s17, s16  }
0x22: {  	p2 =	sgt.s32 @!p1 s14, $0x368;
	s17 =	sadd.s32 @!p1 $0xFFFFCF80, s16  }
0x23: {  	s18 =	sadd.s32 $0x200, s13;
	p2 =	por !p2, p1;
	p3 =	sgt.s32 @!p1 s17, $0x7F  }
0x24: {  	s14 =	simm.s32 @p2 $0x368;
	s16 =	ssub.s32 @!p1 $0x3100, s16;
	p2 =	por !p3, p1  }
0x25: {  	s14 =	ssub.s32 @!p1 $0x3E8, s14;
	s16 =	simm.s32 @!p2 $0x0;
	p2 =	sgt.s32 s18, $0x30FF  }
0x26: {  	s14 =	smul.u32 @!p1 s14, s16;
	s18 =	smov.u32 @p2 s3;
	p2 =	sne.s32 s15, s9  }
.Ltmp1:
0x27: {  	s20 =	sadd.s32 $0x1, s15;
	p0 =	por !p0, !p0;
	(pc) =	sbr.rel @!p2 .LBB1_6-.Ltmp1, $4  }
0x28: {  	s17 =	simm.s32 @!p1 $0x2;
	s16 =	smov.u32 s12;
	s14 =	sand.u32 @!p1 $0x3FFFFFFF, s14  }
0x29: {  	s12 =	smov.u32 s13;
	s15 =	smov.u32 s20;
	_ =	swait.ge @!p1 [sflag:s17], s14  }
0x2a: {  	s13 =	smov.u32 s18;
	s19 =	ssub.s32 @!p1 $0x0, s14;
	[sflag:s17] =	ssyncset.done @!p1 $0x0  }
0x2b: {  	s14 =	smov.u32 s11;
	s11 =	smov.u32 s6;
	[sflag:s17] =	ssyncadd.s32 @!p1 s19  }
.LBB1_1:
0x2c: {  	p1 =	sge.u32 s15, s7  }
0x2d: {  	s17 =	sshll.u32 @!p1 s13, $0xA  }
0x2e: {  	s17 =	sand.u32 @!p1 $0xFFFFE000, s17  }
0x2f: {  	s17 =	sor.u32 @!p1 s8, s17  }
0x30: {  	s17 =	sshrl.u32 @!p1 s17, $0xA  }
0x31: {  	s18 =	smulhi.u32 @!p1 $0x539783, s17;
	_ =	sdelay $0x1  }
0x32: {  	s18 =	sshrl.u32 @!p1 s18, $0x4  }
0x33: {  	s18 =	smul.u32 @!p1 $0x3100, s18  }
0x34: {  	s31 =	sadd.s32 $0xFFFFFFFF, s15;
	s19 =	sxor.u32 @!p1 $0xFFFFFFFF, s15;
	s20 =	sshll.u32 @!p1 s13, $0x4  }
0x35: {  	s19 =	sshll.u32 @!p1 s19, $0xE;
	s17 =	ssub.s32 @!p1 s17, s18;
	s18 =	sand.u32 @!p1 $0x70, s20  }
0x36: {  	s19 =	sand.u32 @!p1 $0x4000, s19;
	s17 =	sshll.u32 @!p1 s17, $0x7;
	s18 =	sadd.s32 @!p1 s4, s18  }
0x37: {  	s20 =	simm.s32 @!p1 $0x2000;
	s17 =	sadd.s32 @!p1 s17, s18;
	s18 =	simm.s32 @!p1 $0x400  }
0x38: {  	[tilespmem:s19], [sflag:$0x1] =	stream.strided.gather @!p1 [hbm4b:s17+s18], $0x4000, s20, s18, $0x38;
	[tilespmem:$0x10100] =	vst v63  }
0x39: {  	p1 =	sge.u32 s31, s7  }
.Ltmp2:
0x3a: {  	_ = 	snop;
	(pc) =	sbr.rel @p1 .LBB1_5-.Ltmp2, $1  }
0x3b: {  	_ =	sdelay $0x3  }
0x3c: {  	s17 =	simm.s32 $0x1  }
0x3d: {  	_ =	swait.ge [sflag:s5], $0x4000;
	s17 =	simm.s32 @!p0 $0x0  }
0x3e: {  	[sflag:s5] =	ssyncset.done $0x0;
	s18 =	sshll.u32 s17, $0xE  }
0x3f: {  	[sflag:s5] =	ssyncadd.s32 $0xFFFFC000;
	s18 =	sor.u32 $0x40, s18  }
0x40: {  	s17 =	smul.u32 $0x10200, s17;
	v0 =	vld [tilespmem:s18+$0x30]  }
0x41: {  	v1 =	vld [tilespmem:s18+$0xFFFFFFD0]  }
0x42: {  	s17 =	sshrl.u32 s17, $0x2;
	v5 =	vld [tilespmem:s18+$0xFFFFFFE0]  }
0x43: {  	v6 =	vld [tilespmem:s18+$0xFFFFFFF0];
	s19 =	sor.u32 $0x8000, s17  }
0x44: {  	s31 =	sand.u32 $0x1, s15;
	v4 =	vld [tilespmem:s18+$0x0];
	s20 =	sadd.s32 $0x0, s19  }
0x45: {  	v3 =	vld [tilespmem:s18+$0x10];
	s17 =	smul.u32 $0x10200, s31;
	[tilespmem:s20+$0x3870 ss:$0x81] =	vst.msk $0xffff, v0  }
0x46: {  	v2 =	vld [tilespmem:s18+$0x20];
	[tilespmem:s20+$0x810 ss:$0x81] =	vst.msk $0xffff, v1  }
0x47: {  	s17 =	sshrl.u32 s17, $0x2;
	v0 =	vld [tilespmem:s18+$0xFFFFFFC0];
	[tilespmem:s20+$0x1020 ss:$0x81] =	vst.msk $0xffff, v5;
	s18 =	sadd.s32 $0x80, s18  }
0x48: {  	s21 =	simm.s32 $0x4;
	s22 =	simm.s32 $0x8;
	s17 =	sor.u32 $0x8000, s17;
	[tilespmem:s20+$0x1830 ss:$0x81] =	vst.msk $0xffff, v6;
	v1 =	vld [tilespmem:s18+$0x30]  }
.LBB1_3:
0x49: {  	p1 =	sne.s32 s22, $0x1FC;
	v5 =	vld [tilespmem:s18+$0xFFFFFFD0];
	[tilespmem:s20+$0x2040 ss:$0x81] =	vst.msk $0xffff, v4  }
0x4a: {  	v6 =	vld [tilespmem:s18+$0xFFFFFFE0];
	[tilespmem:s20+$0x2850 ss:$0x81] =	vst.msk $0xffff, v3  }
0x4b: {  	s23 =	sshra.s32 s21, $0x2;
	s21 =	smov.u32 s22;
	v7 =	vld [tilespmem:s18+$0xFFFFFFF0];
	[tilespmem:s20+$0x3060 ss:$0x81] =	vst.msk $0xffff, v2  }
.Ltmp3:
0x4c: {  	v4 =	vld [tilespmem:s18+$0x0];
	[tilespmem:s20+$0x0 ss:$0x81] =	vst.msk $0xffff, v0;
	s20 =	sadd.s32 s23, s19;
	(pc) =	sbr.rel @p1 .LBB1_3-.Ltmp3, $4  }
0x4d: {  	v3 =	vld [tilespmem:s18+$0x10];
	[tilespmem:s20+$0x3870 ss:$0x81] =	vst.msk $0xffff, v1  }
0x4e: {  	[tilespmem:s20+$0x810 ss:$0x81] =	vst.msk $0xffff, v5;
	v2 =	vld [tilespmem:s18+$0x20]  }
0x4f: {  	v0 =	vld [tilespmem:s18+$0xFFFFFFC0];
	[tilespmem:s20+$0x1020 ss:$0x81] =	vst.msk $0xffff, v6;
	s18 =	sadd.s32 $0x80, s18  }
0x50: {  	s22 =	sadd.s32 $0x4, s22;
	v1 =	vld [tilespmem:s18+$0x30];
	[tilespmem:s20+$0x1830 ss:$0x81] =	vst.msk $0xffff, v7  }
.Ltmp4:
0x51: {  	_ = 	snop;
	(pc) =	sbr.rel .LBB1_4-.Ltmp4, $1  }
0x52: {  	_ =	sdelay $0x3  }
.LBB1_6:
0x53: {  	_ =	sfence.sel $0x180000  }
0x54: {  	s2 =	simm.s32 $0x1;
	[bflag:$0x0] =	sbarrier.arrive $0xFFFF  }
0x55: {  	s31 =	simm.s32 $0x2;
	[sflag:s2] =	ssyncpa.u1 $0x1  }
0x56: {  	[sflag:s31] =	ssyncpa.u1 $0x1  }
0x57: {  	p0 =	sne.s32 s1, $0x0;
	_ =	strace $0x9000004A  }
0x58: {  	s0 =	sadd.s32 @!p0 $0x100000, s0;
	[bflag:$0x2] =	sbarrier.arrive $0xFFFF  }
0x59: {  	[sflag:s0] =	ssyncadd.tile.s32 @!p0 $0x1;
	_ =	shalt  }
.Lfunc_end1:
_tile_overlayer_lowered:
.L_overlay_start_2:
0x5a: {  	(tag) =	ssettag $0x2  }
0x5b: {  	s0 =	rddreg [dreg:$0x0];
	s2 =	stileid.u32  }
0x5c: {  	s1 =	rddreg [dreg:$0x1];
	p0 =	sne.s32 s2, $0x0  }
0x5d: {  	s3 =	rddreg [dreg:$0x2];
	[bflag:$0x3] =	sbarrier.arrive $0xFFFF;
	s2 =	simm.s32 @!p0 $0x1C01  }
0x5e: {  	[timem:s3], [sflag:s2] =	dma.local @!p0 [hbm:s0], s1  }
0x5f: {  	s0 =	simm.s32 @!p0 $0x1  }
0x60: {  	_ =	swait.ge @!p0 [sflag:s0], s1  }
0x61: {  	s1 =	ssub.s32 @!p0 $0x0, s1;
	[sflag:s0] =	ssyncset.done @!p0 $0x0  }
0x62: {  	[sflag:s0] =	ssyncadd.s32 @!p0 s1  }
0x63: {  	[bflag:$0x3] =	sbarrier.arrive $0xFFFF  }
0x64: {  	_ =	shalt  }

// kernel: sparse-core-data-format-call.2.cloned.1.call-start
scs
called_computation.2_lowered:
.L_overlay_start_0:
0x0: {  	s1 =	sld [smem:$0x3FD9]  }
0x1: {  	s2 =	sld [smem:$0x3FFE];
	_ =	sdelay $0x1  }
0x2: {  	s3 =	srdreg.scid  }
0x3: {  	s0 =	sand.u32 $0x1, s3  }
0x4: {  	s17 =	sshll.u32 s0, $0xA;
	s1 =	sadd.s32 s2, s1  }
0x5: {  	s1 =	sadd.s32 s1, s17  }
0x6: {  	[smem:$0x3FBD] =	sst s1  }
0x7: {  	_ = 	snop  }
0x8: {  	(tm) =	ssettm $0x1  }
0x9: {  	s18 =	sld [smem:$0x3FFB];
	_ =	sdelay $0x3  }
0xa: {  	_ =	strace s18  }
0xb: {  	s1 =	sld [smem:$0x3FFC];
	_ =	sdelay $0x3  }
0xc: {  	_ =	strace s1  }
0xd: {  	s1 =	sld [smem:$0x3FFD];
	_ =	sdelay $0x3  }
0xe: {  	_ =	strace s1  }
0xf: {  	_ =	strace $0x8FFFFFFF  }
0x10: {  	s19 =	sld [smem:$0x3FDB];
	_ =	sdelay $0x1  }
0x11: {  	s20 =	simm.s32 $_scs_section_size  }
0x12: {  	s4 =	simm.s32 $_size__tile_overlayer_lowered;
	s5 =	simm.s32 $_tile_overlayer_lowered  }
0x13: {  	s23 =	simm.s32 $0x1BFF;
	s22 =	sshll.u32 s5, $0x1;
	s1 =	sadd.s32 s20, s19  }
0x14: {  	s6 =	simm.s32 $0x0;
	s21 =	sshll.u32 s4, $0x1;
	s4 =	sadd.s32 s22, s1  }
0x15: {  	[timem:s6], [sflag:s23] =	dma.local [hbm:s4], s21  }
0x16: {  	_ =	swait.ge [sflag:s23], s21  }
0x17: {  	s2 =	ssub.s32 $0x0, s21;
	[sflag:s23] =	ssyncset.done $0x0  }
0x18: {  	[sflag:s23] =	ssyncadd.s32 s2;
	_ =	sdelay $0x1  }
0x19: {  	s24 =	simm.s32 $0x1B8B  }
0x1a: {  	_ =	swait.ge [sflag:s24], $0x1  }
0x1b: {  	[sflag:s24] =	ssyncset.done $0x0  }
0x1c: {  	s26 =	simm.s32 $0x1B8E;
	s25 =	sld [smem:$0x3FFE];
	[sflag:s24] =	ssyncadd.s32 $0xFFFFFFFF  }
0x1d: {  	s27 =	simm.s32 $execute0_lowered;
	[smem:$0x3FD2] =	sst s26  }
0x1e: {  	s4 =	sshll.u32 s27, $0x1;
	_ =	strace $0x80000046;
	[dreg:$0x1] =	wrdreg $0xFFFFFFFF  }
0x1f: {  	s28 =	simm.s32 $_size_execute0_lowered;
	s1 =	sadd.s32 s1, s4;
	[dreg:$0x0] =	wrdreg $0x0  }
0x20: {  	s4 =	sshll.u32 s28, $0x1;
	[dreg:$0x2] =	wrdreg s1  }
0x21: {  	[dreg:$0x3] =	wrdreg s4  }
0x22: {  	[dreg:$0x4] =	wrdreg $0xC0  }
0x23: {  	_ =	task [dreg:s6], $0x5FFFF  }
0x24: {  	[dreg:$0x1] =	wrdreg $0xFFFFFFFF  }
0x25: {  	[dreg:$0x0] =	wrdreg $0x60  }
0x26: {  	[dreg:$0x2] =	wrdreg s25  }
0x27: {  	[dreg:$0x3] =	wrdreg $0x9  }
0x28: {  	_ =	task.clear_ibuf [dreg:s6], $0x4FFFF;
	_ =	strace $0x90000046  }
0x29: {  	s29 =	simm.s32 $0x9;
	_ =	strace $0x80000048  }
0x2a: {  	_ =	swait.ge [sflag:s29], $0x1  }
0x2b: {  	[sflag:s29] =	ssyncadd.s32 $0xFFFFFFFF  }
0x2c: {  	_ =	strace $0x90000048  }
0x2d: {  	_ =	sfence  }
0x2e: {  	s30 =	sld [smem:$0x0];
	_ =	sdelay $0x2  }
0x2f: {  	s31 =	sshll.u32 s3, $0xD;
	s3 =	sshrl.u32 s3, $0x2  }
0x30: {  	s2 =	sand.u32 $0x4000, s31;
	s1 =	sadd.s32 s3, s30  }
0x31: {  	s0 =	sor.u32 s2, s0;
	s1 =	sshll.u32 s1, $0x11  }
0x32: {  	s0 =	sor.u32 s1, s0  }
0x33: {  	s0 =	sadd.s32 $0x8F2B, s0  }
0x34: {  	[sflag:s0] =	ssyncadd.remote.s32 $0x1  }
0x35: {  	_ =	sfence.sel $0xFFFF  }
0x36: {  	[dreg:$0x0] =	wrdreg $0xFFFFFFFF;
	(pc) =	sbr.abs _section_cstart, $3  }
0x37: {  	[dreg:$0x1] =	wrdreg $0xFFFFFFFF  }
0x38: {  	_ =	task.clear_ibuf [dreg:s6], $0x2FFFF;
	_ =	strace $0x9FFFFFFF  }
0x39: {  	(tm) =	ssettm $0x7FFFFFFF  }
tec
execute0_lowered:
.L_overlay_start_1:
0x0: {  	(tag) =	ssettag $0x1  }
0x1: {  	s8 =	rddreg [dreg:$0x0]  }
0x2: {  	s1 =	srdreg.scid;
	s0 =	rddreg [dreg:$0x1];
	_ =	strace $0x80000047  }
0x3: {  	s10 =	simm.s32 $0x1C;
	s31 =	simm.s32 $0x2;
	s17 =	simm.s32 $0x0  }
0x4: {  	s15 =	simm.s32 $0x0;
	s18 =	simm.s32 $0x0;
	s16 =	simm.s32 $0x0  }
0x5: {  	s11 =	simm.s32 $0x0;
	s14 =	simm.s32 $0x0;
	s2 =	sshll.u32 s1, $0x7  }
0x6: {  	s1 =	stileid.u32;
	s3 =	sadd.s32 $0x1B5800, s8;
	s2 =	sand.u32 $0x80, s2  }
0x7: {  	s4 =	sshrl.u32 s1, $0x3;
	s7 =	sshll.u32 s1, $0x7;
	s5 =	ssub.s32 $0x100, s2  }
0x8: {  	p0 =	seq.s32 s4, $0x0;
	s7 =	sand.u32 $0x380, s7;
	s6 =	sshrl.u32 s5, $0x7  }
.Ltmp0:
0x9: {  	s9 =	sshrl.u32 s5, $0x8;
	s6 =	sand.u32 $0x1, s6;
	(pc) =	sbr.rel .LBB1_1-.Ltmp0, $4  }
0xa: {  	s8 =	sadd.s32 s8, s2;
	s10 =	simm.s32 @!p0 $0x15;
	s6 =	sadd.s32 s9, s6  }
0xb: {  	s12 =	smov.u32 s4;
	s5 =	simm.s32 $0x1;
	s6 =	smul.u32 s10, s6  }
0xc: {  	p0 =	por $0x0, $0x0;
	s13 =	smov.u32 s7;
	[sflag:s5] =	ssyncpa.u1 $0x0  }
0xd: {  	[sflag:s31] =	ssyncpa.u1 $0x0;
	s10 =	simm.s32 $0x2000;
	s9 =	sadd.s32 $0x1, s6  }
.LBB1_4:
0xe: {  	v5 =	vld [tilespmem:s22+$0xFFFFFFD0];
	[tilespmem:s21+$0x2040 ss:$0x81] =	vst.msk $0xffff, v1  }
0xf: {  	v58 =	vld [tilespmem:s22+$0xFFFFFFE0];
	[tilespmem:s21+$0x2850 ss:$0x81] =	vst.msk $0xffff, v2  }
0x10: {  	s23 =	sshra.s32 s23, $0x2;
	v59 =	vld [tilespmem:s22+$0xFFFFFFF0];
	[tilespmem:s21+$0x3060 ss:$0x81] =	vst.msk $0xffff, v3  }
0x11: {  	v60 =	vld [tilespmem:s22+$0x0];
	[tilespmem:s21+$0x0 ss:$0x81] =	vst.msk $0xffff, v0;
	s20 =	sadd.s32 s23, s20  }
0x12: {  	v61 =	vld [tilespmem:s22+$0x10];
	[tilespmem:s20+$0x3870 ss:$0x81] =	vst.msk $0xffff, v4  }
0x13: {  	v62 =	vld [tilespmem:s22+$0x20];
	[tilespmem:s20+$0x810 ss:$0x81] =	vst.msk $0xffff, v5  }
0x14: {  	v63 =	vld [tilespmem:s22+$0xFFFFFFC0];
	s18 =	smul.u32 $0x38000, s18;
	[tilespmem:s20+$0x1020 ss:$0x81] =	vst.msk $0xffff, v58  }
0x15: {  	s17 =	sshll.u32 s17, $0x7;
	s28 =	sand.u32 $0x7F80, s16;
	s29 =	sshrl.u32 s16, $0x3;
	[tilespmem:s20+$0x1830 ss:$0x81] =	vst.msk $0xffff, v59  }
0x16: {  	s15 =	sshll.u32 s15, $0xF;
	s30 =	sand.u32 $0xF, s29;
	s18 =	sadd.s32 s3, s18;
	[tilespmem:s20+$0x2040 ss:$0x81] =	vst.msk $0xffff, v60  }
0x17: {  	s31 =	sand.u32 $0x7, s16;
	s17 =	sadd.s32 s28, s17;
	s18 =	sadd.s32 s30, s18;
	[tilespmem:s20+$0x2850 ss:$0x81] =	vst.msk $0xffff, v61  }
0x18: {  	s16 =	sshll.u32 s31, $0x12;
	s17 =	sand.u32 $0x7F80, s17;
	s15 =	sadd.s32 s15, s18;
	[tilespmem:s20+$0x3060 ss:$0x81] =	vst.msk $0xffff, v62  }
0x19: {  	s16 =	sor.u32 $0x400, s16;
	[tilespmem:s20+$0x0 ss:$0x81] =	vst.msk $0xffff, v63;
	s15 =	sadd.s32 s17, s15  }
0x1a: {  	[hbm4b:s15+s16] =	stream.strided.scatter [tilespmem:s19], [sflag:$0x2], $0x4000, s10, s16, $0x20;
	[tilespmem:$0x10100] =	vst v63  }
.LBB1_5:
0x1b: {  	s19 =	sadd.s32 $0x1, s11  }
0x1c: {  	s15 =	sadd.s32 $0x2, s12;
	s20 =	smov.u32 s12;
	p2 =	sgt.s32 s19, $0x6  }
0x1d: {  	s20 =	smov.u32 @p2 s15  }
0x1e: {  	s21 =	smov.u32 s13;
	s15 =	sadd.s32 $0x400, s13;
	p3 =	sgt.s32 s20, $0x6  }
0x1f: {  	s21 =	smov.u32 @p3 s15  }
0x20: {  	s19 =	simm.s32 @p2 $0x0;
	p2 =	sgt.s32 s21, $0x3E7  }
0x21: {  	p1 =	slt.u32 s14, $0x2;
	s21 =	smov.u32 @p2 s7;
	p2 =	sne.s32 s14, s9  }
.Ltmp1:
0x22: {  	s18 =	smov.u32 s12;
	s17 =	simm.s32 @!p1 $0x2;
	(pc) =	sbr.rel @!p2 .LBB1_6-.Ltmp1, $4  }
0x23: {  	s16 =	smov.u32 s13;
	p0 =	por !p0, !p0;
	_ =	swait.ge @!p1 [sflag:s17], $0x4000  }
0x24: {  	[sflag:s17] =	ssyncset.done @!p1 $0x0;
	s20 =	smov.u32 @p3 s4;
	s15 =	smov.u32 s11  }
0x25: {  	[sflag:s17] =	ssyncadd.s32 @!p1 $0xFFFFC000;
	s17 =	smov.u32 s2;
	s11 =	smov.u32 s19  }
0x26: {  	s12 =	smov.u32 s20;
	s14 =	sadd.s32 $0x1, s14;
	s13 =	smov.u32 s21  }
.LBB1_1:
0x27: {  	p1 =	sge.u32 s14, s6;
	s19 =	smov.u32 s13;
	s22 =	smov.u32 s12  }
0x28: {  	s31 =	sadd.s32 $0xFFFFFFFF, s14;
	p2 =	sgt.s32 @!p1 s13, $0x368;
	s20 =	sxor.u32 @!p1 $0xFFFFFFFF, s14  }
0x29: {  	s21 =	sshra.s32 @!p1 s13, $0x1F;
	s23 =	sshra.s32 @!p1 s12, $0x1F;
	p2 =	por !p2, p1  }
0x2a: {  	s21 =	sand.u32 @!p1 s21, s13;
	s19 =	simm.s32 @p2 $0x368;
	p2 =	sgt.s32 @!p1 s12, $0x6  }
0x2b: {  	s23 =	sand.u32 @!p1 s23, s12;
	p2 =	por !p2, p1;
	s19 =	ssub.s32 @!p1 s19, s21  }
0x2c: {  	s22 =	simm.s32 @p2 $0x6;
	p2 =	sgt.s32 @!p1 s11, $0x7;
	s19 =	sadd.s32 @!p1 $0xFFFFFC98, s19  }
0x2d: {  	s21 =	ssub.s32 @!p1 s22, s23;
	p2 =	por !p2, p1;
	s23 =	smov.u32 s11  }
0x2e: {  	s22 =	sadd.s32 @!p1 $0xFFFFFFFA, s21;
	s23 =	simm.s32 @p2 $0x7;
	p2 =	sgt.s32 @!p1 s19, $0x7F  }
0x2f: {  	s19 =	sshll.u32 @!p1 s19, $0x7;
	p3 =	sgt.s32 @!p1 s22, $0x0;
	s22 =	sshra.s32 @!p1 s11, $0x1F  }
0x30: {  	s21 =	ssub.s32 @!p1 $0x7, s21;
	s19 =	ssub.s32 @!p1 $0x4000, s19;
	s22 =	sand.u32 @!p1 s22, s11  }
0x31: {  	p2 =	por !p2, p1;
	p3 =	por !p3, p1;
	s22 =	ssub.s32 @!p1 s23, s22  }
0x32: {  	s19 =	simm.s32 @!p2 $0x0;
	s21 =	simm.s32 @!p3 $0x0;
	s23 =	sadd.s32 @!p1 $0xFFFFFFF9, s22  }
0x33: {  	s20 =	sshll.u32 @!p1 s20, $0xE;
	s19 =	smul.u32 @!p1 s21, s19;
	p3 =	sgt.s32 @!p1 s23, $0x0  }
0x34: {  	s22 =	ssub.s32 @!p1 $0x8, s22;
	s21 =	smul.u32 @!p1 $0x700, s13;
	p2 =	por !p3, p1  }
0x35: {  	s20 =	sand.u32 @!p1 $0x4000, s20;
	s23 =	sshll.u32 @!p1 s11, $0x4;
	s22 =	simm.s32 @!p2 $0x0  }
0x36: {  	s21 =	sadd.s32 @!p1 s21, s8;
	s19 =	smul.u32 @!p1 s22, s19;
	s22 =	sshll.u32 @!p1 s12, $0x8  }
0x37: {  	s23 =	sand.u32 @!p1 $0x70, s23;
	s21 =	sadd.s32 @!p1 s22, s21;
	s22 =	simm.s32 @!p1 $0x80  }
0x38: {  	s19 =	sand.u32 @!p1 $0x3FFFFF80, s19;
	s21 =	sadd.s32 @!p1 s23, s21;
	s23 =	simm.s32 @!p1 $0x3800  }
0x39: {  	[tilespmem:s20], [sflag:$0x1] =	stream.strided.gather @!p1 [hbm4b:s21+s22], s19, s23, s22, $0x38;
	[tilespmem:$0x10100] =	vst v63  }
0x3a: {  	p1 =	sge.u32 s31, s6  }
.Ltmp2:
0x3b: {  	_ = 	snop;
	(pc) =	sbr.rel @p1 .LBB1_5-.Ltmp2, $1  }
0x3c: {  	_ =	sdelay $0x3  }
0x3d: {  	p1 =	sgt.s32 s16, $0x368  }
0x3e: {  	s19 =	smov.u32 s16;
	s20 =	sshra.s32 s16, $0x1F;
	s21 =	sshra.s32 s18, $0x1F  }
0x3f: {  	p2 =	sgt.s32 s15, $0x7;
	s19 =	simm.s32 @!p1 $0x368;
	s20 =	sand.u32 s20, s16  }
0x40: {  	s23 =	sshra.s32 s15, $0x1F;
	p1 =	sgt.s32 s18, $0x6;
	s19 =	ssub.s32 s19, s20  }
0x41: {  	s21 =	sand.u32 s21, s18;
	s20 =	smov.u32 s18;
	s19 =	sadd.s32 $0xFFFFFC98, s19  }
0x42: {  	s27 =	sand.u32 s23, s15;
	s20 =	simm.s32 @!p1 $0x6;
	p1 =	sgt.s32 s19, $0x7F  }
0x43: {  	s20 =	ssub.s32 s20, s21;
	s21 =	smov.u32 s15;
	s19 =	sshll.u32 s19, $0x7  }
0x44: {  	s22 =	sadd.s32 $0xFFFFFFFA, s20;
	s21 =	simm.s32 @!p2 $0x7;
	s20 =	ssub.s32 $0x7, s20  }
0x45: {  	s19 =	ssub.s32 $0x4000, s19;
	p2 =	sgt.s32 s22, $0x0;
	s21 =	ssub.s32 s21, s27  }
0x46: {  	s19 =	simm.s32 @p1 $0x0;
	s20 =	simm.s32 @p2 $0x0;
	s22 =	sadd.s32 $0xFFFFFFF9, s21  }
0x47: {  	s21 =	ssub.s32 $0x8, s21;
	p1 =	sgt.s32 s22, $0x0;
	s19 =	smul.u32 s20, s19  }
0x48: {  	s21 =	simm.s32 @p1 $0x0  }
0x49: {  	s19 =	smul.u32 s21, s19;
	_ =	sdelay $0x1  }
0x4a: {  	s20 =	simm.s32 $0x1;
	s19 =	sand.u32 $0x3FFFFF80, s19  }
0x4b: {  	s20 =	simm.s32 @!p0 $0x0;
	_ =	swait.ge [sflag:s5], s19  }
0x4c: {  	s28 =	sshll.u32 s20, $0xE;
	s19 =	ssub.s32 $0x0, s19;
	[sflag:s5] =	ssyncset.done $0x0  }
0x4d: {  	s29 =	sor.u32 $0x40, s28;
	[sflag:s5] =	ssyncadd.s32 s19  }
0x4e: {  	s30 =	smul.u32 $0x10200, s20;
	v0 =	vld [tilespmem:s29+$0x30]  }
0x4f: {  	v3 =	vld [tilespmem:s29+$0xFFFFFFD0]  }
0x50: {  	s19 =	sshrl.u32 s30, $0x2;
	v4 =	vld [tilespmem:s29+$0xFFFFFFE0]  }
0x51: {  	s20 =	sor.u32 $0x8000, s19;
	v5 =	vld [tilespmem:s29+$0xFFFFFFF0]  }
0x52: {  	s31 =	sand.u32 $0x1, s14;
	v1 =	vld [tilespmem:s29+$0x0];
	s21 =	sadd.s32 $0x0, s20  }
0x53: {  	s19 =	smul.u32 $0x10200, s31;
	v2 =	vld [tilespmem:s29+$0x10];
	[tilespmem:s21+$0x3870 ss:$0x81] =	vst.msk $0xffff, v0  }
0x54: {  	[tilespmem:s21+$0x810 ss:$0x81] =	vst.msk $0xffff, v3;
	v3 =	vld [tilespmem:s29+$0x20]  }
0x55: {  	s22 =	sadd.s32 $0x80, s29;
	s19 =	sshrl.u32 s19, $0x2;
	v0 =	vld [tilespmem:s29+$0xFFFFFFC0];
	[tilespmem:s21+$0x1020 ss:$0x81] =	vst.msk $0xffff, v4  }
0x56: {  	s24 =	simm.s32 $0x8;
	s23 =	simm.s32 $0x4;
	s19 =	sor.u32 $0x8000, s19;
	v4 =	vld [tilespmem:s22+$0x30];
	[tilespmem:s21+$0x1830 ss:$0x81] =	vst.msk $0xffff, v5  }
.LBB1_3:
0x57: {  	p1 =	sne.s32 s24, $0x1FC;
	v5 =	vld [tilespmem:s22+$0xFFFFFFD0];
	[tilespmem:s21+$0x2040 ss:$0x81] =	vst.msk $0xffff, v1  }
0x58: {  	v6 =	vld [tilespmem:s22+$0xFFFFFFE0];
	[tilespmem:s21+$0x2850 ss:$0x81] =	vst.msk $0xffff, v2  }
0x59: {  	s25 =	sshra.s32 s23, $0x2;
	s23 =	smov.u32 s24;
	v7 =	vld [tilespmem:s22+$0xFFFFFFF0];
	[tilespmem:s21+$0x3060 ss:$0x81] =	vst.msk $0xffff, v3  }
.Ltmp3:
0x5a: {  	v1 =	vld [tilespmem:s22+$0x0];
	[tilespmem:s21+$0x0 ss:$0x81] =	vst.msk $0xffff, v0;
	s21 =	sadd.s32 s25, s20;
	(pc) =	sbr.rel @p1 .LBB1_3-.Ltmp3, $4  }
0x5b: {  	v2 =	vld [tilespmem:s22+$0x10];
	[tilespmem:s21+$0x3870 ss:$0x81] =	vst.msk $0xffff, v4  }
0x5c: {  	[tilespmem:s21+$0x810 ss:$0x81] =	vst.msk $0xffff, v5;
	v3 =	vld [tilespmem:s22+$0x20]  }
0x5d: {  	v0 =	vld [tilespmem:s22+$0xFFFFFFC0];
	[tilespmem:s21+$0x1020 ss:$0x81] =	vst.msk $0xffff, v6;
	s22 =	sadd.s32 $0x80, s22  }
0x5e: {  	s24 =	sadd.s32 $0x4, s24;
	v4 =	vld [tilespmem:s22+$0x30];
	[tilespmem:s21+$0x1830 ss:$0x81] =	vst.msk $0xffff, v7  }
.Ltmp4:
0x5f: {  	_ = 	snop;
	(pc) =	sbr.rel .LBB1_4-.Ltmp4, $1  }
0x60: {  	_ =	sdelay $0x3  }
.LBB1_6:
0x61: {  	_ =	sfence.sel $0x180000  }
0x62: {  	s2 =	simm.s32 $0x1;
	[bflag:$0x0] =	sbarrier.arrive $0xFFFF  }
0x63: {  	s31 =	simm.s32 $0x2;
	[sflag:s2] =	ssyncpa.u1 $0x1  }
0x64: {  	[sflag:s31] =	ssyncpa.u1 $0x1  }
0x65: {  	p0 =	sne.s32 s1, $0x0;
	_ =	strace $0x90000047  }
0x66: {  	s0 =	sadd.s32 @!p0 $0x100000, s0;
	[bflag:$0x2] =	sbarrier.arrive $0xFFFF  }
0x67: {  	[sflag:s0] =	ssyncadd.tile.s32 @!p0 $0x1;
	_ =	shalt  }
.Lfunc_end1:
_tile_overlayer_lowered:
.L_overlay_start_2:
0x68: {  	(tag) =	ssettag $0x2  }
0x69: {  	s0 =	rddreg [dreg:$0x0];
	s2 =	stileid.u32  }
0x6a: {  	s1 =	rddreg [dreg:$0x1];
	p0 =	sne.s32 s2, $0x0  }
0x6b: {  	s3 =	rddreg [dreg:$0x2];
	[bflag:$0x3] =	sbarrier.arrive $0xFFFF;
	s2 =	simm.s32 @!p0 $0x1C01  }
0x6c: {  	[timem:s3], [sflag:s2] =	dma.local @!p0 [hbm:s0], s1  }
0x6d: {  	s0 =	simm.s32 @!p0 $0x1  }
0x6e: {  	_ =	swait.ge @!p0 [sflag:s0], s1  }
0x6f: {  	s1 =	ssub.s32 @!p0 $0x0, s1;
	[sflag:s0] =	ssyncset.done @!p0 $0x0  }
0x70: {  	[sflag:s0] =	ssyncadd.s32 @!p0 s1  }
0x71: {  	[bflag:$0x3] =	sbarrier.arrive $0xFFFF  }
0x72: {  	_ =	shalt  }

// kernel: sparse-core-data-format-call.cloned.1.call-start
scs
called_computation_lowered:
.L_overlay_start_0:
0x0: {  	s2 =	sld [smem:$0x3FD9]  }
0x1: {  	s3 =	sld [smem:$0x3FFE];
	_ =	sdelay $0x1  }
0x2: {  	s1 =	srdreg.scid  }
0x3: {  	s0 =	sand.u32 $0x1, s1  }
0x4: {  	s18 =	sshll.u32 s0, $0xA;
	s2 =	sadd.s32 s3, s2  }
0x5: {  	s2 =	sadd.s32 s2, s18  }
0x6: {  	[smem:$0x3FBD] =	sst s2  }
0x7: {  	_ = 	snop  }
0x8: {  	(tm) =	ssettm $0x1  }
0x9: {  	s19 =	sld [smem:$0x3FFB];
	_ =	sdelay $0x3  }
0xa: {  	_ =	strace s19  }
0xb: {  	s2 =	sld [smem:$0x3FFC];
	_ =	sdelay $0x3  }
0xc: {  	_ =	strace s2  }
0xd: {  	s2 =	sld [smem:$0x3FFD];
	_ =	sdelay $0x3  }
0xe: {  	_ =	strace s2  }
0xf: {  	_ =	strace $0x8FFFFFFF  }
0x10: {  	s20 =	sld [smem:$0x3FDB];
	_ =	sdelay $0x1  }
0x11: {  	s21 =	simm.s32 $_scs_section_size  }
0x12: {  	s4 =	simm.s32 $_size__tile_overlayer_lowered;
	s5 =	simm.s32 $_tile_overlayer_lowered  }
0x13: {  	s6 =	simm.s32 $0x1BFF;
	s22 =	sshll.u32 s5, $0x1;
	s3 =	sadd.s32 s21, s20  }
0x14: {  	s23 =	simm.s32 $0x0;
	s4 =	sshll.u32 s4, $0x1;
	s5 =	sadd.s32 s22, s3  }
0x15: {  	[timem:s23], [sflag:s6] =	dma.local [hbm:s5], s4  }
0x16: {  	_ =	swait.ge [sflag:s6], s4  }
0x17: {  	s4 =	ssub.s32 $0x0, s4;
	[sflag:s6] =	ssyncset.done $0x0  }
0x18: {  	[sflag:s6] =	ssyncadd.s32 s4;
	_ =	sdelay $0x1  }
0x19: {  	s24 =	simm.s32 $0x1B8B  }
0x1a: {  	_ =	swait.ge [sflag:s24], $0x1  }
0x1b: {  	[sflag:s24] =	ssyncset.done $0x0  }
0x1c: {  	[sflag:s24] =	ssyncadd.s32 $0xFFFFFFFF  }
0x1d: {  	s4 =	sld [smem:$0x0]  }
0x1e: {  	s5 =	sand.u32 $0xFFFFFFFE, s1  }
0x1f: {  	p0 =	sne.s32 s1, s5  }
0x20: {  	s5 =	sshll.u32 @p0 s5, $0xE  }
0x21: {  	s5 =	sadd.s32 @p0 $0x11B8D, s5;
	s6 =	sshll.u32 @p0 s4, $0x11  }
0x22: {  	s5 =	sor.u32 @p0 s6, s5  }
0x23: {  	[sflag:s5] =	ssyncadd.remote.s32 @p0 $0x1;
	_ =	sdelay $0x1  }
0x24: {  	s5 =	simm.s32 @p0 $0x1B8D  }
0x25: {  	_ =	swait.eq @p0 [sflag:s5], $0x1  }
0x26: {  	[sflag:s5] =	ssyncadd.s32 @p0 $0xFFFFFFFF  }
0x27: {  	s6 =	sshll.u32 @!p0 s1, $0xE  }
0x28: {  	s6 =	sor.u32 @!p0 $0x4000, s6;
	s5 =	simm.s32 @!p0 $0x1B8D  }
0x29: {  	s4 =	sshll.u32 @!p0 s4, $0x11;
	s6 =	sadd.s32 @!p0 $0x11B8D, s6;
	_ =	swait.eq @!p0 [sflag:s5], $0x1  }
0x2a: {  	s4 =	sor.u32 @!p0 s4, s6;
	[sflag:s5] =	ssyncadd.s32 @!p0 $0xFFFFFFFF  }
0x2b: {  	s26 =	simm.s32 $0x1B8E;
	s25 =	sld [smem:$0x3FFE];
	[sflag:s4] =	ssyncadd.remote.s32 @!p0 $0x1  }
0x2c: {  	s27 =	simm.s32 $execute0_lowered;
	[smem:$0x3FD2] =	sst s26  }
0x2d: {  	s5 =	sshll.u32 s27, $0x1;
	_ =	strace $0x8000004C;
	[dreg:$0x1] =	wrdreg $0xFFFFFFFF  }
0x2e: {  	s28 =	simm.s32 $_size_execute0_lowered;
	s3 =	sadd.s32 s3, s5;
	[dreg:$0x0] =	wrdreg $0x0  }
0x2f: {  	s5 =	sshll.u32 s28, $0x1;
	[dreg:$0x2] =	wrdreg s3  }
0x30: {  	[dreg:$0x3] =	wrdreg s5  }
0x31: {  	[dreg:$0x4] =	wrdreg $0xC0  }
0x32: {  	_ =	task [dreg:s23], $0x5FFFF  }
0x33: {  	[dreg:$0x1] =	wrdreg $0xFFFFFFFF  }
0x34: {  	[dreg:$0x0] =	wrdreg $0x60  }
0x35: {  	[dreg:$0x2] =	wrdreg s25  }
0x36: {  	[dreg:$0x3] =	wrdreg $0x9  }
0x37: {  	_ =	task.clear_ibuf [dreg:s23], $0x4FFFF;
	_ =	strace $0x9000004C  }
0x38: {  	s29 =	simm.s32 $0x9;
	_ =	strace $0x8000004E  }
0x39: {  	_ =	swait.ge [sflag:s29], $0x1  }
0x3a: {  	[sflag:s29] =	ssyncadd.s32 $0xFFFFFFFF  }
0x3b: {  	_ =	strace $0x9000004E  }
0x3c: {  	_ =	sfence  }
0x3d: {  	s30 =	sld [smem:$0x0];
	_ =	sdelay $0x2  }
0x3e: {  	s31 =	sshll.u32 s1, $0xD;
	s1 =	sshrl.u32 s1, $0x2  }
0x3f: {  	s4 =	sand.u32 $0x4000, s31;
	s1 =	sadd.s32 s1, s30  }
0x40: {  	s0 =	sor.u32 s4, s0;
	s1 =	sshll.u32 s1, $0x11  }
0x41: {  	s0 =	sor.u32 s1, s0  }
0x42: {  	s0 =	sadd.s32 $0x8F2B, s0  }
0x43: {  	[sflag:s0] =	ssyncadd.remote.s32 $0x1  }
0x44: {  	_ =	sfence.sel $0xFFFF  }
0x45: {  	[dreg:$0x0] =	wrdreg $0xFFFFFFFF;
	(pc) =	sbr.abs _section_cstart, $3  }
0x46: {  	[dreg:$0x1] =	wrdreg $0xFFFFFFFF  }
0x47: {  	_ =	task.clear_ibuf [dreg:s23], $0x2FFFF;
	_ =	strace $0x9FFFFFFF  }
0x48: {  	(tm) =	ssettm $0x7FFFFFFF  }
0x49: {  	_ =	shalt  }
tec
execute0_lowered:
.L_overlay_start_1:
0x0: {  	(tag) =	ssettag $0x1  }
0x1: {  	s0 =	stileid.u32  }
0x2: {  	s1 =	srdreg.scid;
	s8 =	rddreg [dreg:$0x0];
	s31 =	simm.s32 $0x2  }
0x3: {  	s17 =	simm.s32 $0x0;
	s10 =	simm.s32 $0x400;
	s11 =	simm.s32 $0x2000  }
0x4: {  	s2 =	sshll.u32 s0, $0x7;
	s3 =	sshll.u32 s0, $0x5;
	s4 =	sshll.u32 s1, $0x9  }
0x5: {  	s27 =	sshrl.u32 s0, $0x1;
	s1 =	sand.u32 $0x80, s2;
	s25 =	sor.u32 s3, s4  }
0x6: {  	s3 =	sand.u32 $0x1, s27;
	s26 =	ssub.s32 $0x100, s1;
	s2 =	sand.u32 $0x380, s25  }
0x7: {  	s30 =	ssub.s32 $0x4, s3;
	s5 =	sshrl.u32 s26, $0x7;
	s7 =	ssub.s32 $0x400, s2  }
0x8: {  	s6 =	sshrl.u32 s26, $0x8;
	s5 =	sand.u32 $0x1, s5;
	s29 =	sand.u32 $0x380, s7  }
0x9: {  	s28 =	sadd.s32 s6, s5;
	p0 =	sne.s32 s29, $0x0;
	s5 =	simm.s32 $0x1  }
0xa: {  	s7 =	sshrl.u32 s7, $0xA;
	s5 =	simm.s32 @!p0 $0x0;
	s6 =	smul.u32 s28, s30  }
0xb: {  	s12 =	simm.s32 $0x0;
	s18 =	simm.s32 $0x0;
	s5 =	sadd.s32 s5, s7  }
0xc: {  	s20 =	simm.s32 $0x0;
	s19 =	simm.s32 $0x0;
	s6 =	smul.u32 s5, s6  }
.Ltmp0:
0xd: {  	s13 =	simm.s32 $0x0;
	s16 =	simm.s32 $0x0;
	(pc) =	sbr.rel .LBB1_1-.Ltmp0, $4  }
0xe: {  	s4 =	rddreg [dreg:$0x1];
	_ =	strace $0x8000004D;
	s14 =	smov.u32 s3  }
0xf: {  	s15 =	smov.u32 s1;
	s5 =	simm.s32 $0x1;
	s6 =	smul.u32 $0x7, s6  }
0x10: {  	s9 =	sadd.s32 s2, s8;
	s7 =	sadd.s32 $0x4FD800, s8;
	[sflag:s5] =	ssyncpa.u1 $0x0  }
0x11: {  	s8 =	sadd.s32 $0x33D800, s9;
	[sflag:s31] =	ssyncpa.u1 $0x0;
	s9 =	sadd.s32 $0x1, s6  }
.LBB1_4:
0x12: {  	_ =	sdelay $0x3  }
0x13: {  	[tilespmem:v0+s23+$0xFFFFFFD0 ss:$0x1] =	vst.idx.msk $0xffff, v6  }
0x14: {  	v56 =	vld.idx.msk [tilespmem:v1+s22+$0x0 ss:$0x1], $0xffff;
	[tilespmem:v0+s23+$0xFFFFFFE0 ss:$0x1] =	vst.idx.msk $0xffff, v4  }
0x15: {  	v57 =	vld.idx.msk [tilespmem:v1+s22+$0xFFFFFF90 ss:$0x1], $0xffff;
	[tilespmem:v0+s23+$0xFFFFFFF0 ss:$0x1] =	vst.idx.msk $0xffff, v2  }
0x16: {  	v58 =	vld.idx.msk [tilespmem:v1+s22+$0xFFFFFFA0 ss:$0x1], $0xffff;
	[tilespmem:v0+s23+$0x0 ss:$0x1] =	vst.idx.msk $0xffff, v3  }
0x17: {  	v59 =	vld.idx.msk [tilespmem:v1+s22+$0xFFFFFFB0 ss:$0x1], $0xffff;
	[tilespmem:v0+s23+$0x10 ss:$0x1] =	vst.idx.msk $0xffff, v5  }
0x18: {  	v60 =	vld.idx.msk [tilespmem:v1+s22+$0xFFFFFFC0 ss:$0x1], $0xffff;
	[tilespmem:v0+s23+$0x20 ss:$0x1] =	vst.idx.msk $0xffff, v7  }
0x19: {  	v61 =	vld.idx.msk [tilespmem:v1+s22+$0xFFFFFFD0 ss:$0x1], $0xffff;
	[tilespmem:v0+s22+$0x30 ss:$0x1] =	vst.idx.msk $0xffff, v56  }
0x1a: {  	v62 =	vld.idx.msk [tilespmem:v1+s22+$0xFFFFFFE0 ss:$0x1], $0xffff;
	[tilespmem:v0+s22+$0xFFFFFFC0 ss:$0x1] =	vst.idx.msk $0xffff, v57  }
0x1b: {  	v63 =	vld.idx.msk [tilespmem:v1+s22+$0xFFFFFFF0 ss:$0x1], $0xffff;
	s20 =	smul.u32 $0x38000, s20;
	[tilespmem:v0+s22+$0xFFFFFFD0 ss:$0x1] =	vst.idx.msk $0xffff, v58  }
0x1c: {  	s30 =	sshll.u32 s19, $0x4;
	[tilespmem:v0+s22+$0xFFFFFFE0 ss:$0x1] =	vst.idx.msk $0xffff, v59  }
0x1d: {  	s31 =	sshll.u32 s19, $0x7;
	s23 =	sand.u32 $0x70, s30;
	s20 =	sadd.s32 s7, s20;
	[tilespmem:v0+s22+$0xFFFFFFF0 ss:$0x1] =	vst.idx.msk $0xffff, v60  }
0x1e: {  	s18 =	sshll.u32 s18, $0xF;
	s19 =	sand.u32 $0x7C00, s31;
	s20 =	sadd.s32 s23, s20;
	[tilespmem:v0+s22+$0x0 ss:$0x1] =	vst.idx.msk $0xffff, v61  }
0x1f: {  	s17 =	sor.u32 s17, s19;
	s18 =	sadd.s32 s18, s20;
	[tilespmem:v0+s22+$0x10 ss:$0x1] =	vst.idx.msk $0xffff, v62  }
0x20: {  	[tilespmem:v0+s22+$0x20 ss:$0x1] =	vst.idx.msk $0xffff, v63;
	s17 =	sadd.s32 s17, s18  }
0x21: {  	[hbm4b:s17+s10] =	stream.strided.scatter [tilespmem:s21], [sflag:$0x2], $0x4000, s11, s10, $0x38;
	[tilespmem:$0x10000] =	vst v63  }
.LBB1_5:
0x22: {  	s21 =	sadd.s32 $0x1, s13  }
0x23: {  	s17 =	sadd.s32 $0x2, s14;
	s22 =	smov.u32 s14;
	p1 =	sgt.s32 s21, $0x6  }
0x24: {  	s22 =	smov.u32 @p1 s17  }
0x25: {  	s18 =	sadd.s32 $0x100, s15;
	s23 =	smov.u32 s15;
	p2 =	sgt.s32 s22, $0x6  }
0x26: {  	s23 =	smov.u32 @p2 s18  }
0x27: {  	s21 =	simm.s32 @p1 $0x0;
	p1 =	sgt.s32 s23, $0xFF  }
0x28: {  	p0 =	slt.u32 s16, $0x2;
	s23 =	smov.u32 @p1 s1;
	p1 =	sne.s32 s16, s9  }
.Ltmp1:
0x29: {  	s20 =	smov.u32 s14;
	s17 =	simm.s32 @!p0 $0x2;
	(pc) =	sbr.rel @!p1 .LBB1_6-.Ltmp1, $4  }
0x2a: {  	s19 =	smov.u32 s15;
	s12 =	sadd.s32 $0x4000, s12;
	_ =	swait.ge @!p0 [sflag:s17], $0x4000  }
0x2b: {  	[sflag:s17] =	ssyncset.done @!p0 $0x0;
	s22 =	smov.u32 @p2 s3;
	s18 =	smov.u32 s13  }
0x2c: {  	s13 =	smov.u32 s21;
	[sflag:s17] =	ssyncadd.s32 @!p0 $0xFFFFC000;
	s17 =	smov.u32 s2  }
0x2d: {  	s14 =	smov.u32 s22;
	s16 =	sadd.s32 $0x1, s16;
	s15 =	smov.u32 s23  }
.LBB1_1:
0x2e: {  	p0 =	sge.u32 s16, s6  }
0x2f: {  	s22 =	smul.u32 @!p0 $0x1C00, s15  }
0x30: {  	s31 =	sadd.s32 $0xFFFFFFFF, s16;
	s21 =	sxor.u32 @!p0 $0xFFFFFFFF, s16;
	s23 =	sshll.u32 @!p0 s14, $0xA  }
0x31: {  	s24 =	sshll.u32 @!p0 s13, $0x4;
	s21 =	sshll.u32 @!p0 s21, $0xE;
	s22 =	sadd.s32 @!p0 s22, s8  }
0x32: {  	s24 =	sand.u32 @!p0 $0x70, s24;
	s21 =	sand.u32 @!p0 $0x4000, s21;
	s22 =	sadd.s32 @!p0 s23, s22  }
0x33: {  	s23 =	simm.s32 @!p0 $0x80;
	s22 =	sadd.s32 @!p0 s24, s22;
	s24 =	simm.s32 @!p0 $0xE000  }
0x34: {  	[tilespmem:s21], [sflag:$0x1] =	stream.strided.gather @!p0 [hbm4b:s22+s23], $0x4000, s24, s23, $0x38;
	[tilespmem:$0x10000] =	vst v63  }
0x35: {  	p0 =	sge.u32 s31, s6  }
.Ltmp2:
0x36: {  	_ = 	snop;
	(pc) =	sbr.rel @p0 .LBB1_5-.Ltmp2, $1  }
0x37: {  	_ =	sdelay $0x3  }
0x38: {  	s21 =	sand.u32 $0x4000, s12  }
0x39: {  	s22 =	sor.u32 $0x70, s21  }
0x3a: {  	v1 =	vmov s22;
	_ =	sdelay $0x1  }
0x3b: {  	_ =	swait.ge [sflag:s5], $0x4000  }
0x3c: {  	[sflag:s5] =	ssyncset.done $0x0  }
0x3d: {  	s23 =	simm.s32 $0x0;
	[sflag:s5] =	ssyncadd.s32 $0xFFFFC000  }
0x3e: {  	s21 =	sor.u32 $0x8040, s21;
	v7 =	vld.idx.msk [tilespmem:v1+s23+$0x0 ss:$0x1], $0xffff  }
0x3f: {  	v0 =	vmov s21;
	v8 =	vld.idx.msk [tilespmem:v1+s23+$0xFFFFFF90 ss:$0x1], $0xffff  }
0x40: {  	v6 =	vld.idx.msk [tilespmem:v1+s23+$0xFFFFFFA0 ss:$0x1], $0xffff  }
0x41: {  	v4 =	vld.idx.msk [tilespmem:v1+s23+$0xFFFFFFB0 ss:$0x1], $0xffff  }
0x42: {  	v2 =	vld.idx.msk [tilespmem:v1+s23+$0xFFFFFFC0 ss:$0x1], $0xffff  }
0x43: {  	s31 =	sshll.u32 s16, $0xE;
	v3 =	vld.idx.msk [tilespmem:v1+s23+$0xFFFFFFD0 ss:$0x1], $0xffff  }
0x44: {  	s21 =	sand.u32 $0x4000, s31;
	v5 =	vld.idx.msk [tilespmem:v1+s23+$0xFFFFFFE0 ss:$0x1], $0xffff;
	[tilespmem:v0+s23+$0x30 ss:$0x1] =	vst.idx.msk $0xffff, v7  }
0x45: {  	s24 =	simm.s32 $0x400;
	s22 =	simm.s32 $0x80;
	s21 =	sor.u32 $0x8000, s21;
	[tilespmem:v0+s23+$0xFFFFFFC0 ss:$0x1] =	vst.idx.msk $0xffff, v8;
	v7 =	vld.idx.msk [tilespmem:v1+s23+$0xFFFFFFF0 ss:$0x1], $0xffff  }
.LBB1_3:
0x46: {  	p0 =	sne.s32 s24, $0xFE00;
	v8 =	vld.idx.msk [tilespmem:v1+s22+$0x0 ss:$0x1], $0xffff;
	[tilespmem:v0+s23+$0xFFFFFFD0 ss:$0x1] =	vst.idx.msk $0xffff, v6  }
0x47: {  	v9 =	vld.idx.msk [tilespmem:v1+s22+$0xFFFFFF90 ss:$0x1], $0xffff;
	[tilespmem:v0+s23+$0xFFFFFFE0 ss:$0x1] =	vst.idx.msk $0xffff, v4  }
0x48: {  	v6 =	vld.idx.msk [tilespmem:v1+s22+$0xFFFFFFA0 ss:$0x1], $0xffff;
	[tilespmem:v0+s23+$0xFFFFFFF0 ss:$0x1] =	vst.idx.msk $0xffff, v2  }
.Ltmp3:
0x49: {  	v4 =	vld.idx.msk [tilespmem:v1+s22+$0xFFFFFFB0 ss:$0x1], $0xffff;
	[tilespmem:v0+s23+$0x0 ss:$0x1] =	vst.idx.msk $0xffff, v3;
	(pc) =	sbr.rel @p0 .LBB1_3-.Ltmp3, $4  }
0x4a: {  	v2 =	vld.idx.msk [tilespmem:v1+s22+$0xFFFFFFC0 ss:$0x1], $0xffff;
	[tilespmem:v0+s23+$0x10 ss:$0x1] =	vst.idx.msk $0xffff, v5  }
0x4b: {  	v3 =	vld.idx.msk [tilespmem:v1+s22+$0xFFFFFFD0 ss:$0x1], $0xffff;
	[tilespmem:v0+s23+$0x20 ss:$0x1] =	vst.idx.msk $0xffff, v7;
	s23 =	smov.u32 s22  }
0x4c: {  	v5 =	vld.idx.msk [tilespmem:v1+s23+$0xFFFFFFE0 ss:$0x1], $0xffff;
	[tilespmem:v0+s23+$0x30 ss:$0x1] =	vst.idx.msk $0xffff, v8  }
0x4d: {  	s22 =	sshra.s32 s24, $0x2;
	s24 =	sadd.s32 $0x200, s24;
	[tilespmem:v0+s23+$0xFFFFFFC0 ss:$0x1] =	vst.idx.msk $0xffff, v9;
	v7 =	vld.idx.msk [tilespmem:v1+s23+$0xFFFFFFF0 ss:$0x1], $0xffff  }
.Ltmp4:
0x4e: {  	_ = 	snop;
	(pc) =	sbr.rel .LBB1_4-.Ltmp4, $1  }
0x4f: {  	_ =	sdelay $0x3  }
.LBB1_6:
0x50: {  	_ =	sfence.sel $0x180000  }
0x51: {  	s1 =	simm.s32 $0x1;
	[bflag:$0x0] =	sbarrier.arrive $0xFFFF  }
0x52: {  	s31 =	simm.s32 $0x2;
	[sflag:s1] =	ssyncpa.u1 $0x1  }
0x53: {  	[sflag:s31] =	ssyncpa.u1 $0x1  }
0x54: {  	p0 =	sne.s32 s0, $0x0;
	_ =	strace $0x9000004D  }
0x55: {  	s0 =	sadd.s32 @!p0 $0x100000, s4;
	[bflag:$0x2] =	sbarrier.arrive $0xFFFF  }
0x56: {  	[sflag:s0] =	ssyncadd.tile.s32 @!p0 $0x1;
	_ =	shalt  }
.Lfunc_end1:
_tile_overlayer_lowered:
.L_overlay_start_2:
0x57: {  	(tag) =	ssettag $0x2  }
0x58: {  	s0 =	rddreg [dreg:$0x0];
	s2 =	stileid.u32  }
0x59: {  	s1 =	rddreg [dreg:$0x1];
	p0 =	sne.s32 s2, $0x0  }
0x5a: {  	s3 =	rddreg [dreg:$0x2];
	[bflag:$0x3] =	sbarrier.arrive $0xFFFF;
	s2 =	simm.s32 @!p0 $0x1C01  }
0x5b: {  	[timem:s3], [sflag:s2] =	dma.local @!p0 [hbm:s0], s1  }
0x5c: {  	s0 =	simm.s32 @!p0 $0x1  }
0x5d: {  	_ =	swait.ge @!p0 [sflag:s0], s1  }
0x5e: {  	s1 =	ssub.s32 @!p0 $0x0, s1;
	[sflag:s0] =	ssyncset.done @!p0 $0x0  }
0x5f: {  	[sflag:s0] =	ssyncadd.s32 @!p0 s1  }
0x60: {  	[bflag:$0x3] =	sbarrier.arrive $0xFFFF  }
0x61: {  	_ =	shalt  }

</sc_bundles>
